<compile_context>
chip_gen: v7x
topology: tpu7x:2x2x1
jax: 0.10.2.dev20260603
libtpu: 0.0.44.dev20260713+nightly
codegen_flags: <defaults>
</compile_context>

<pallas_src>
import functools

import jax
import jax.numpy as jnp
from jax import lax
from jax.experimental import pallas as pl
from jax.experimental.pallas import tpu as pltpu
from jax.experimental.pallas import tpu_sc as plsc

_NUM_OBJS = 151
_L = 16


@functools.lru_cache(maxsize=None)
def _make_gather(B, V, D):
    info = plsc.get_sparse_core_info()
    NC, NS = info.num_cores, info.num_subcores
    NW = NC * NS
    b_per_s = B // NS
    full_tiles = D - NW
    mesh = plsc.VectorSubcoreMesh(core_axis_name="c", subcore_axis_name="s")

    @functools.partial(
        pl.kernel,
        mesh=mesh,
        compiler_params=pltpu.CompilerParams(
            use_tc_tiling_on_sc=True, needs_layout_passes=False),
        out_type=jax.ShapeDtypeStruct((D, B), jnp.float32),
        scratch_types=[
            pltpu.VMEM((2, b_per_s), jnp.int32),
            pltpu.VMEM((b_per_s,), jnp.int32),
            pltpu.VMEM((B,), jnp.int32),
            pltpu.VMEM((V,), jnp.float32),
            pltpu.VMEM((V,), jnp.float32),
            pltpu.VMEM((B,), jnp.float32),
            pltpu.VMEM((B,), jnp.float32),
            pltpu.VMEM_SHARED((B,), jnp.int32),
            pltpu.SemaphoreType.DMA,
            pltpu.SemaphoreType.DMA,
            pltpu.SemaphoreType.DMA,
        ],
    )
    def k(labt_hbm, tabt_hbm, out_hbm,
          lv, il_v, idx_v, rowa_v, rowb_v, outa_v, outb_v,
          idx_sh, sem_a, sem_b, sem_l):
        cid = lax.axis_index("c")
        sid = lax.axis_index("s")
        wid = sid * NC + cid
        sbase = sid * b_per_s
        cp_l = pltpu.async_copy(
            labt_hbm.at[:, pl.ds(sbase, b_per_s)], lv, sem_l)
        cp_a = pltpu.async_copy(tabt_hbm.at[wid], rowa_v, sem_a)

        @pl.when(wid < full_tiles)
        def _stage_b():
            pltpu.async_copy(tabt_hbm.at[wid + NW], rowb_v, sem_b)

        cp_l.wait()

        @plsc.parallel_loop(0, b_per_s // _L, unroll=4)
        def _idx(i):
            sl = pl.ds(i * _L, _L)
            il_v[sl] = lv[0, sl] * _NUM_OBJS + lv[1, sl]

        pltpu.sync_copy(il_v, idx_sh.at[pl.ds(sbase, b_per_s)])
        plsc.subcore_barrier()
        pltpu.sync_copy(idx_sh, idx_v)

        cp_a.wait()

        @pl.when(wid < full_tiles)
        def _wait_b():
            pltpu.make_async_copy(
                tabt_hbm.at[wid + NW], rowb_v, sem_b).wait()

        nchunk = 4
        csz = B // nchunk
        wb_a = []
        for h in range(nchunk):
            @plsc.parallel_loop(h * (csz // _L), (h + 1) * (csz // _L),
                                unroll=4)
            def _g2(i):
                sl = pl.ds(i * _L, _L)
                iv = idx_v[sl]
                outa_v[sl] = plsc.load_gather(rowa_v, [iv])
                outb_v[sl] = plsc.load_gather(rowb_v, [iv])

            hs = pl.ds(h * csz, csz)
            wb_a.append(pltpu.async_copy(
                outa_v.at[hs], out_hbm.at[wid, hs], sem_a))

            @pl.when(wid < full_tiles)
            def _wb_b():
                pltpu.async_copy(
                    outb_v.at[hs], out_hbm.at[wid + NW, hs], sem_b)

        for c in wb_a:
            c.wait()

        @pl.when(wid < full_tiles)
        def _wb_b_wait():
            for h in range(nchunk):
                hs = pl.ds(h * csz, csz)
                pltpu.make_async_copy(
                    outb_v.at[hs], out_hbm.at[wid + NW, hs], sem_b).wait()

    return k


def kernel(labels, table):
    B = labels.shape[0]
    V, D = table.shape
    labt = labels.T.astype(jnp.int32)
    tabt = table.T
    out_t = _make_gather(B, V, D)(labt, tabt)
    return out_t.T

# --- scband reference (transcript-rebuilt; emitter-appended) ---
"""Pipeline reference for scband-frequency-bias-22952305230113 (READ-ONLY COPY).

The authoritative reference and input builder live on the scoring server;
editing this copy changes nothing except your own understanding.
"""

import jax, jax.numpy as jnp
import numpy as np

NUM_OBJS = 151
NUM_PREDS = 51
BATCH = 16384


def setup_inputs(seed: int = 0) -> dict:
    key = jax.random.key(seed)
    k1, k2 = jax.random.split(key)
    labels = jax.random.randint(k1, (BATCH, 2), 0, NUM_OBJS)
    # rel_baseline embedding table: [num_objs*num_objs, num_preds]
    # (in the original code this is a log-frequency prior; here random stand-in)
    table = jax.random.normal(k2, (NUM_OBJS * NUM_OBJS, NUM_PREDS), dtype=jnp.float32)
    return {"labels": labels, "table": table}


def reference(labels, table):
    # FrequencyBias.rel_index_with_labels:
    # self.rel_baseline(labels[:, 0] * self.num_objs + labels[:, 1])
    idx = labels[:, 0] * NUM_OBJS + labels[:, 1]
    return jnp.take(table, idx, axis=0)

if __name__ == "__main__":
    import jax
    _d = setup_inputs()
    print(jax.jit(kernel)(*tuple(_d.values())))

</pallas_src>

<mosaic_0001>
#map = affine_map<(d0, d1) -> (0, 0)>
module attributes {stable_mosaic.version = 14 : i64} {
  func.func @k(%arg0: i32, %arg1: i32, %arg2: memref<2x16384xi32, #tpu.memory_space<hbm>>, %arg3: memref<51x22801xf32, #tpu.memory_space<hbm>>, %arg4: memref<51x16384xf32, #tpu.memory_space<hbm>>, %arg5: memref<2x1024xi32, #tpu.memory_space<vmem>>, %arg6: memref<1024xi32, #tpu.memory_space<vmem>>, %arg7: memref<16384xi32, #tpu.memory_space<vmem>>, %arg8: memref<22801xf32, #tpu.memory_space<vmem>>, %arg9: memref<22801xf32, #tpu.memory_space<vmem>>, %arg10: memref<16384xf32, #tpu.memory_space<vmem>>, %arg11: memref<16384xf32, #tpu.memory_space<vmem>>, %arg12: memref<16384xi32, #tpu.memory_space<vmem_shared>>, %arg13: memref<!tpu.dma_semaphore, #tpu.memory_space<semaphore_mem>>, %arg14: memref<!tpu.dma_semaphore, #tpu.memory_space<semaphore_mem>>, %arg15: memref<!tpu.dma_semaphore, #tpu.memory_space<semaphore_mem>>) attributes {dimension_semantics = [#tpu.dimension_semantics<core_parallel>, #tpu.dimension_semantics<subcore_parallel>], iteration_bounds = array<i64: 2, 16>, scalar_prefetch = 0 : i64, scratch_operands = 11 : i64, tpu.core_type = #tpu.core_type<sc_vector_subcore>, window_params = [{transform_indices = #map}, {transform_indices = #map}, {transform_indices = #map}]} {
    %mul3A = arith.constant 2 : i32
    %mul3A_0 = arith.muli %arg1, %mul3A : i32
    %add3A = arith.addi %mul3A_0, %arg0 : i32
    %mul3A_1 = arith.constant 1024 : i32
    %mul3A_2 = arith.muli %arg1, %mul3A_1 : i32
    %dma_start3A = arith.constant 0 : i32
    %dma_start3A_3 = tpu.memref_slice %arg2[%dma_start3A, %mul3A_2] : memref<2x16384xi32, #tpu.memory_space<hbm>> -> memref<2x1024xi32, #tpu.memory_space<hbm>>
    %dma_start3A_4 = arith.constant 0 : i32
    %dma_start3A_5 = tpu.memref_slice %arg2[%dma_start3A_4, %mul3A_2] : memref<2x16384xi32, #tpu.memory_space<hbm>> -> memref<2x1024xi32, #tpu.memory_space<hbm>>
    tpu.enqueue_dma source(%dma_start3A_5 : memref<2x1024xi32, #tpu.memory_space<hbm>>) target(%arg5 : memref<2x1024xi32, #tpu.memory_space<vmem>>) target_semaphore(%arg15 : memref<!tpu.dma_semaphore, #tpu.memory_space<semaphore_mem>>)
    %dma_start3A_6 = arith.constant 0 : i32
    %dma_start3A_7 = tpu.memref_slice %arg3[%add3A, %dma_start3A_6] : memref<51x22801xf32, #tpu.memory_space<hbm>> -> memref<1x22801xf32, #tpu.memory_space<hbm>>
    %dma_start3A_8 = tpu.memref_squeeze %dma_start3A_7 : memref<1x22801xf32, #tpu.memory_space<hbm>> -> memref<22801xf32, #tpu.memory_space<hbm>>
    %dma_start3A_9 = arith.constant 0 : i32
    %dma_start3A_10 = tpu.memref_slice %arg3[%add3A, %dma_start3A_9] : memref<51x22801xf32, #tpu.memory_space<hbm>> -> memref<1x22801xf32, #tpu.memory_space<hbm>>
    %dma_start3A_11 = tpu.memref_squeeze %dma_start3A_10 : memref<1x22801xf32, #tpu.memory_space<hbm>> -> memref<22801xf32, #tpu.memory_space<hbm>>
    tpu.enqueue_dma source(%dma_start3A_11 : memref<22801xf32, #tpu.memory_space<hbm>>) target(%arg8 : memref<22801xf32, #tpu.memory_space<vmem>>) target_semaphore(%arg13 : memref<!tpu.dma_semaphore, #tpu.memory_space<semaphore_mem>>)
    %lt3A = arith.constant 19 : i32
    %lt3A_12 = arith.cmpi slt, %add3A, %lt3A : i32
    %convert_element_type3A = arith.extui %lt3A_12 : i1 to i32
    %cond3A = arith.constant 0 : i32
    %cond3A_13 = arith.cmpi ne, %convert_element_type3A, %cond3A : i32
    scf.if %cond3A_13 {
      %add3A_147 = arith.constant 32 : i32
      %add3A_148 = arith.addi %add3A, %add3A_147 : i32
      %dma_start3A_149 = arith.constant 0 : i32
      %dma_start3A_150 = tpu.memref_slice %arg3[%add3A_148, %dma_start3A_149] : memref<51x22801xf32, #tpu.memory_space<hbm>> -> memref<1x22801xf32, #tpu.memory_space<hbm>>
      %dma_start3A_151 = tpu.memref_squeeze %dma_start3A_150 : memref<1x22801xf32, #tpu.memory_space<hbm>> -> memref<22801xf32, #tpu.memory_space<hbm>>
      %dma_start3A_152 = arith.constant 0 : i32
      %dma_start3A_153 = tpu.memref_slice %arg3[%add3A_148, %dma_start3A_152] : memref<51x22801xf32, #tpu.memory_space<hbm>> -> memref<1x22801xf32, #tpu.memory_space<hbm>>
      %dma_start3A_154 = tpu.memref_squeeze %dma_start3A_153 : memref<1x22801xf32, #tpu.memory_space<hbm>> -> memref<22801xf32, #tpu.memory_space<hbm>>
      tpu.enqueue_dma source(%dma_start3A_154 : memref<22801xf32, #tpu.memory_space<hbm>>) target(%arg9 : memref<22801xf32, #tpu.memory_space<vmem>>) target_semaphore(%arg14 : memref<!tpu.dma_semaphore, #tpu.memory_space<semaphore_mem>>)
    } else {
    }
    %dma_wait3A = arith.constant 0 : i32
    %dma_wait3A_14 = tpu.memref_slice %arg2[%dma_wait3A, %mul3A_2] : memref<2x16384xi32, #tpu.memory_space<hbm>> -> memref<2x1024xi32, #tpu.memory_space<hbm>>
    %dma_wait3A_15 = arith.constant 0 : i32
    %dma_wait3A_16 = tpu.memref_slice %arg2[%dma_wait3A_15, %mul3A_2] : memref<2x16384xi32, #tpu.memory_space<hbm>> -> memref<2x1024xi32, #tpu.memory_space<hbm>>
    tpu.wait_dma2 semaphore(%arg15 : memref<!tpu.dma_semaphore, #tpu.memory_space<semaphore_mem>>) src(%dma_wait3A_16 : memref<2x1024xi32, #tpu.memory_space<hbm>>) dst(%arg5 : memref<2x1024xi32, #tpu.memory_space<vmem>>)
    %parallel_loop3A = arith.constant 0 : i32
    %parallel_loop3A_17 = arith.constant 64 : i32
    %parallel_loop3A_18 = arith.constant 1 : i32
    scf.for %parallel_loop3A_147 = %parallel_loop3A to %parallel_loop3A_17 step %parallel_loop3A_18  : i32 {
      %parallel_loop3A_148 = arith.constant 16 : i32
      %parallel_loop3A_149 = arith.muli %parallel_loop3A_147, %parallel_loop3A_148 : i32
      %parallel_loop3A_150 = arith.constant 0 : i32
      %parallel_loop3A_151 = arith.index_cast %parallel_loop3A_150 : i32 to index
      %parallel_loop3A_152 = arith.index_cast %parallel_loop3A_149 : i32 to index
      %parallel_loop3A_153 = tpu.vector_load %arg5[%parallel_loop3A_151, %parallel_loop3A_152] {strides = array<i32>} : memref<2x1024xi32, #tpu.memory_space<vmem>>, vector<16xi32>,
      %parallel_loop3A_154 = arith.constant 151 : i32
      %parallel_loop3A_155 = vector.broadcast %parallel_loop3A_154 : i32 to vector<16xi32>
      %parallel_loop3A_156 = arith.muli %parallel_loop3A_153, %parallel_loop3A_155 : vector<16xi32>
      %parallel_loop3A_157 = arith.constant 1 : i32
      %parallel_loop3A_158 = arith.index_cast %parallel_loop3A_157 : i32 to index
      %parallel_loop3A_159 = arith.index_cast %parallel_loop3A_149 : i32 to index
      %parallel_loop3A_160 = tpu.vector_load %arg5[%parallel_loop3A_158, %parallel_loop3A_159] {strides = array<i32>} : memref<2x1024xi32, #tpu.memory_space<vmem>>, vector<16xi32>,
      %parallel_loop3A_161 = arith.addi %parallel_loop3A_156, %parallel_loop3A_160 : vector<16xi32>
      %parallel_loop3A_162 = arith.index_cast %parallel_loop3A_149 : i32 to index
      %parallel_loop3A_163 = tpu.vector_load %arg6[%parallel_loop3A_162] {strides = array<i32>} : memref<1024xi32, #tpu.memory_space<vmem>>, vector<16xi32>,
      tpu.vector_store %arg6[%parallel_loop3A_162], %parallel_loop3A_161 {strides = array<i32>} : memref<1024xi32, #tpu.memory_space<vmem>>, vector<16xi32>,
    } {sc.loop_unroll_factor = 4 : i64, sc.parallel_access}
    "tpu.region"() ({
      %run_scoped3A = tpu.sem_alloc : memref<!tpu.dma_semaphore, #tpu.memory_space<semaphore_mem>>
      %dma_start3A_147 = tpu.memref_slice %arg12[%mul3A_2] : memref<16384xi32, #tpu.memory_space<vmem_shared>> -> memref<1024xi32, #tpu.memory_space<vmem_shared>>
      %dma_start3A_148 = tpu.memref_slice %arg12[%mul3A_2] : memref<16384xi32, #tpu.memory_space<vmem_shared>> -> memref<1024xi32, #tpu.memory_space<vmem_shared>>
      tpu.enqueue_dma source(%arg6 : memref<1024xi32, #tpu.memory_space<vmem>>) target(%dma_start3A_148 : memref<1024xi32, #tpu.memory_space<vmem_shared>>) target_semaphore(%run_scoped3A : memref<!tpu.dma_semaphore, #tpu.memory_space<semaphore_mem>>)
      %dma_wait3A_149 = tpu.memref_slice %arg12[%mul3A_2] : memref<16384xi32, #tpu.memory_space<vmem_shared>> -> memref<1024xi32, #tpu.memory_space<vmem_shared>>
      %dma_wait3A_150 = tpu.memref_slice %arg12[%mul3A_2] : memref<16384xi32, #tpu.memory_space<vmem_shared>> -> memref<1024xi32, #tpu.memory_space<vmem_shared>>
      tpu.wait_dma2 semaphore(%run_scoped3A : memref<!tpu.dma_semaphore, #tpu.memory_space<semaphore_mem>>) src(%arg6 : memref<1024xi32, #tpu.memory_space<vmem>>) dst(%dma_wait3A_150 : memref<1024xi32, #tpu.memory_space<vmem_shared>>)
      tpu.yield
    }) : () -> ()
    %barrier3A = arith.constant 0 : index
    tpu.barrier barrier_id(%barrier3A)
    "tpu.region"() ({
      %run_scoped3A = tpu.sem_alloc : memref<!tpu.dma_semaphore, #tpu.memory_space<semaphore_mem>>
      tpu.enqueue_dma source(%arg12 : memref<16384xi32, #tpu.memory_space<vmem_shared>>) target(%arg7 : memref<16384xi32, #tpu.memory_space<vmem>>) target_semaphore(%run_scoped3A : memref<!tpu.dma_semaphore, #tpu.memory_space<semaphore_mem>>)
      tpu.wait_dma2 semaphore(%run_scoped3A : memref<!tpu.dma_semaphore, #tpu.memory_space<semaphore_mem>>) src(%arg12 : memref<16384xi32, #tpu.memory_space<vmem_shared>>) dst(%arg7 : memref<16384xi32, #tpu.memory_space<vmem>>)
      tpu.yield
    }) : () -> ()
    %dma_wait3A_19 = arith.constant 0 : i32
    %dma_wait3A_20 = tpu.memref_slice %arg3[%add3A, %dma_wait3A_19] : memref<51x22801xf32, #tpu.memory_space<hbm>> -> memref<1x22801xf32, #tpu.memory_space<hbm>>
    %dma_wait3A_21 = tpu.memref_squeeze %dma_wait3A_20 : memref<1x22801xf32, #tpu.memory_space<hbm>> -> memref<22801xf32, #tpu.memory_space<hbm>>
    %dma_wait3A_22 = arith.constant 0 : i32
    %dma_wait3A_23 = tpu.memref_slice %arg3[%add3A, %dma_wait3A_22] : memref<51x22801xf32, #tpu.memory_space<hbm>> -> memref<1x22801xf32, #tpu.memory_space<hbm>>
    %dma_wait3A_24 = tpu.memref_squeeze %dma_wait3A_23 : memref<1x22801xf32, #tpu.memory_space<hbm>> -> memref<22801xf32, #tpu.memory_space<hbm>>
    tpu.wait_dma2 semaphore(%arg13 : memref<!tpu.dma_semaphore, #tpu.memory_space<semaphore_mem>>) src(%dma_wait3A_24 : memref<22801xf32, #tpu.memory_space<hbm>>) dst(%arg8 : memref<22801xf32, #tpu.memory_space<vmem>>)
    %lt3A_25 = arith.constant 19 : i32
    %lt3A_26 = arith.cmpi slt, %add3A, %lt3A_25 : i32
    %convert_element_type3A_27 = arith.extui %lt3A_26 : i1 to i32
    %cond3A_28 = arith.constant 0 : i32
    %cond3A_29 = arith.cmpi ne, %convert_element_type3A_27, %cond3A_28 : i32
    scf.if %cond3A_29 {
      %add3A_147 = arith.constant 32 : i32
      %add3A_148 = arith.addi %add3A, %add3A_147 : i32
      %dma_wait3A_149 = arith.constant 0 : i32
      %dma_wait3A_150 = tpu.memref_slice %arg3[%add3A_148, %dma_wait3A_149] : memref<51x22801xf32, #tpu.memory_space<hbm>> -> memref<1x22801xf32, #tpu.memory_space<hbm>>
      %dma_wait3A_151 = tpu.memref_squeeze %dma_wait3A_150 : memref<1x22801xf32, #tpu.memory_space<hbm>> -> memref<22801xf32, #tpu.memory_space<hbm>>
      %dma_wait3A_152 = arith.constant 0 : i32
      %dma_wait3A_153 = tpu.memref_slice %arg3[%add3A_148, %dma_wait3A_152] : memref<51x22801xf32, #tpu.memory_space<hbm>> -> memref<1x22801xf32, #tpu.memory_space<hbm>>
      %dma_wait3A_154 = tpu.memref_squeeze %dma_wait3A_153 : memref<1x22801xf32, #tpu.memory_space<hbm>> -> memref<22801xf32, #tpu.memory_space<hbm>>
      tpu.wait_dma2 semaphore(%arg14 : memref<!tpu.dma_semaphore, #tpu.memory_space<semaphore_mem>>) src(%dma_wait3A_154 : memref<22801xf32, #tpu.memory_space<hbm>>) dst(%arg9 : memref<22801xf32, #tpu.memory_space<vmem>>)
    } else {
    }
    %parallel_loop3A_30 = arith.constant 0 : i32
    %parallel_loop3A_31 = arith.constant 256 : i32
    %parallel_loop3A_32 = arith.constant 1 : i32
    scf.for %parallel_loop3A_147 = %parallel_loop3A_30 to %parallel_loop3A_31 step %parallel_loop3A_32  : i32 {
      %parallel_loop3A_148 = arith.constant 16 : i32
      %parallel_loop3A_149 = arith.muli %parallel_loop3A_147, %parallel_loop3A_148 : i32
      %parallel_loop3A_150 = arith.index_cast %parallel_loop3A_149 : i32 to index
      %parallel_loop3A_151 = tpu.vector_load %arg7[%parallel_loop3A_150] {strides = array<i32>} : memref<16384xi32, #tpu.memory_space<vmem>>, vector<16xi32>,
      %parallel_loop3A_152 = tpu.vector_load_idx %arg8[%parallel_loop3A_151] : memref<22801xf32, #tpu.memory_space<vmem>>[vector<16xi32>], vector<16xf32>,
      %parallel_loop3A_153 = arith.index_cast %parallel_loop3A_149 : i32 to index
      %parallel_loop3A_154 = tpu.vector_load %arg10[%parallel_loop3A_153] {strides = array<i32>} : memref<16384xf32, #tpu.memory_space<vmem>>, vector<16xf32>,
      tpu.vector_store %arg10[%parallel_loop3A_153], %parallel_loop3A_152 {strides = array<i32>} : memref<16384xf32, #tpu.memory_space<vmem>>, vector<16xf32>,
      %parallel_loop3A_155 = tpu.vector_load_idx %arg9[%parallel_loop3A_151] : memref<22801xf32, #tpu.memory_space<vmem>>[vector<16xi32>], vector<16xf32>,
      %parallel_loop3A_156 = arith.index_cast %parallel_loop3A_149 : i32 to index
      %parallel_loop3A_157 = tpu.vector_load %arg11[%parallel_loop3A_156] {strides = array<i32>} : memref<16384xf32, #tpu.memory_space<vmem>>, vector<16xf32>,
      tpu.vector_store %arg11[%parallel_loop3A_156], %parallel_loop3A_155 {strides = array<i32>} : memref<16384xf32, #tpu.memory_space<vmem>>, vector<16xf32>,
    } {sc.loop_unroll_factor = 4 : i64, sc.parallel_access}
    %dma_start3A_33 = arith.constant 0 : i32
    %dma_start3A_34 = tpu.memref_slice %arg10[%dma_start3A_33] : memref<16384xf32, #tpu.memory_space<vmem>> -> memref<4096xf32, #tpu.memory_space<vmem>>
    %dma_start3A_35 = arith.constant 0 : i32
    %dma_start3A_36 = tpu.memref_slice %arg4[%add3A, %dma_start3A_35] : memref<51x16384xf32, #tpu.memory_space<hbm>> -> memref<1x4096xf32, #tpu.memory_space<hbm>>
    %dma_start3A_37 = tpu.memref_squeeze %dma_start3A_36 : memref<1x4096xf32, #tpu.memory_space<hbm>> -> memref<4096xf32, #tpu.memory_space<hbm>>
    %dma_start3A_38 = arith.constant 0 : i32
    %dma_start3A_39 = tpu.memref_slice %arg4[%add3A, %dma_start3A_38] : memref<51x16384xf32, #tpu.memory_space<hbm>> -> memref<1x4096xf32, #tpu.memory_space<hbm>>
    %dma_start3A_40 = tpu.memref_squeeze %dma_start3A_39 : memref<1x4096xf32, #tpu.memory_space<hbm>> -> memref<4096xf32, #tpu.memory_space<hbm>>
    %dma_start3A_41 = arith.constant 0 : i32
    %dma_start3A_42 = tpu.memref_slice %arg10[%dma_start3A_41] : memref<16384xf32, #tpu.memory_space<vmem>> -> memref<4096xf32, #tpu.memory_space<vmem>>
    tpu.enqueue_dma source(%dma_start3A_42 : memref<4096xf32, #tpu.memory_space<vmem>>) target(%dma_start3A_40 : memref<4096xf32, #tpu.memory_space<hbm>>) target_semaphore(%arg13 : memref<!tpu.dma_semaphore, #tpu.memory_space<semaphore_mem>>)
    %lt3A_43 = arith.constant 19 : i32
    %lt3A_44 = arith.cmpi slt, %add3A, %lt3A_43 : i32
    %convert_element_type3A_45 = arith.extui %lt3A_44 : i1 to i32
    %cond3A_46 = arith.constant 0 : i32
    %cond3A_47 = arith.cmpi ne, %convert_element_type3A_45, %cond3A_46 : i32
    scf.if %cond3A_47 {
      %add3A_147 = arith.constant 32 : i32
      %add3A_148 = arith.addi %add3A, %add3A_147 : i32
      %dma_start3A_149 = arith.constant 0 : i32
      %dma_start3A_150 = tpu.memref_slice %arg11[%dma_start3A_149] : memref<16384xf32, #tpu.memory_space<vmem>> -> memref<4096xf32, #tpu.memory_space<vmem>>
      %dma_start3A_151 = arith.constant 0 : i32
      %dma_start3A_152 = tpu.memref_slice %arg4[%add3A_148, %dma_start3A_151] : memref<51x16384xf32, #tpu.memory_space<hbm>> -> memref<1x4096xf32, #tpu.memory_space<hbm>>
      %dma_start3A_153 = tpu.memref_squeeze %dma_start3A_152 : memref<1x4096xf32, #tpu.memory_space<hbm>> -> memref<4096xf32, #tpu.memory_space<hbm>>
      %dma_start3A_154 = arith.constant 0 : i32
      %dma_start3A_155 = tpu.memref_slice %arg4[%add3A_148, %dma_start3A_154] : memref<51x16384xf32, #tpu.memory_space<hbm>> -> memref<1x4096xf32, #tpu.memory_space<hbm>>
      %dma_start3A_156 = tpu.memref_squeeze %dma_start3A_155 : memref<1x4096xf32, #tpu.memory_space<hbm>> -> memref<4096xf32, #tpu.memory_space<hbm>>
      %dma_start3A_157 = arith.constant 0 : i32
      %dma_start3A_158 = tpu.memref_slice %arg11[%dma_start3A_157] : memref<16384xf32, #tpu.memory_space<vmem>> -> memref<4096xf32, #tpu.memory_space<vmem>>
      tpu.enqueue_dma source(%dma_start3A_158 : memref<4096xf32, #tpu.memory_space<vmem>>) target(%dma_start3A_156 : memref<4096xf32, #tpu.memory_space<hbm>>) target_semaphore(%arg14 : memref<!tpu.dma_semaphore, #tpu.memory_space<semaphore_mem>>)
    } else {
    }
    %parallel_loop3A_48 = arith.constant 256 : i32
    %parallel_loop3A_49 = arith.constant 512 : i32
    %parallel_loop3A_50 = arith.constant 1 : i32
    scf.for %parallel_loop3A_147 = %parallel_loop3A_48 to %parallel_loop3A_49 step %parallel_loop3A_50  : i32 {
      %parallel_loop3A_148 = arith.constant 16 : i32
      %parallel_loop3A_149 = arith.muli %parallel_loop3A_147, %parallel_loop3A_148 : i32
      %parallel_loop3A_150 = arith.index_cast %parallel_loop3A_149 : i32 to index
      %parallel_loop3A_151 = tpu.vector_load %arg7[%parallel_loop3A_150] {strides = array<i32>} : memref<16384xi32, #tpu.memory_space<vmem>>, vector<16xi32>,
      %parallel_loop3A_152 = tpu.vector_load_idx %arg8[%parallel_loop3A_151] : memref<22801xf32, #tpu.memory_space<vmem>>[vector<16xi32>], vector<16xf32>,
      %parallel_loop3A_153 = arith.index_cast %parallel_loop3A_149 : i32 to index
      %parallel_loop3A_154 = tpu.vector_load %arg10[%parallel_loop3A_153] {strides = array<i32>} : memref<16384xf32, #tpu.memory_space<vmem>>, vector<16xf32>,
      tpu.vector_store %arg10[%parallel_loop3A_153], %parallel_loop3A_152 {strides = array<i32>} : memref<16384xf32, #tpu.memory_space<vmem>>, vector<16xf32>,
      %parallel_loop3A_155 = tpu.vector_load_idx %arg9[%parallel_loop3A_151] : memref<22801xf32, #tpu.memory_space<vmem>>[vector<16xi32>], vector<16xf32>,
      %parallel_loop3A_156 = arith.index_cast %parallel_loop3A_149 : i32 to index
      %parallel_loop3A_157 = tpu.vector_load %arg11[%parallel_loop3A_156] {strides = array<i32>} : memref<16384xf32, #tpu.memory_space<vmem>>, vector<16xf32>,
      tpu.vector_store %arg11[%parallel_loop3A_156], %parallel_loop3A_155 {strides = array<i32>} : memref<16384xf32, #tpu.memory_space<vmem>>, vector<16xf32>,
    } {sc.loop_unroll_factor = 4 : i64, sc.parallel_access}
    %dma_start3A_51 = arith.constant 4096 : i32
    %dma_start3A_52 = tpu.memref_slice %arg10[%dma_start3A_51] : memref<16384xf32, #tpu.memory_space<vmem>> -> memref<4096xf32, #tpu.memory_space<vmem>>
    %dma_start3A_53 = arith.constant 4096 : i32
    %dma_start3A_54 = tpu.memref_slice %arg4[%add3A, %dma_start3A_53] : memref<51x16384xf32, #tpu.memory_space<hbm>> -> memref<1x4096xf32, #tpu.memory_space<hbm>>
    %dma_start3A_55 = tpu.memref_squeeze %dma_start3A_54 : memref<1x4096xf32, #tpu.memory_space<hbm>> -> memref<4096xf32, #tpu.memory_space<hbm>>
    %dma_start3A_56 = arith.constant 4096 : i32
    %dma_start3A_57 = tpu.memref_slice %arg4[%add3A, %dma_start3A_56] : memref<51x16384xf32, #tpu.memory_space<hbm>> -> memref<1x4096xf32, #tpu.memory_space<hbm>>
    %dma_start3A_58 = tpu.memref_squeeze %dma_start3A_57 : memref<1x4096xf32, #tpu.memory_space<hbm>> -> memref<4096xf32, #tpu.memory_space<hbm>>
    %dma_start3A_59 = arith.constant 4096 : i32
    %dma_start3A_60 = tpu.memref_slice %arg10[%dma_start3A_59] : memref<16384xf32, #tpu.memory_space<vmem>> -> memref<4096xf32, #tpu.memory_space<vmem>>
    tpu.enqueue_dma source(%dma_start3A_60 : memref<4096xf32, #tpu.memory_space<vmem>>) target(%dma_start3A_58 : memref<4096xf32, #tpu.memory_space<hbm>>) target_semaphore(%arg13 : memref<!tpu.dma_semaphore, #tpu.memory_space<semaphore_mem>>)
    %lt3A_61 = arith.constant 19 : i32
    %lt3A_62 = arith.cmpi slt, %add3A, %lt3A_61 : i32
    %convert_element_type3A_63 = arith.extui %lt3A_62 : i1 to i32
    %cond3A_64 = arith.constant 0 : i32
    %cond3A_65 = arith.cmpi ne, %convert_element_type3A_63, %cond3A_64 : i32
    scf.if %cond3A_65 {
      %add3A_147 = arith.constant 32 : i32
      %add3A_148 = arith.addi %add3A, %add3A_147 : i32
      %dma_start3A_149 = arith.constant 4096 : i32
      %dma_start3A_150 = tpu.memref_slice %arg11[%dma_start3A_149] : memref<16384xf32, #tpu.memory_space<vmem>> -> memref<4096xf32, #tpu.memory_space<vmem>>
      %dma_start3A_151 = arith.constant 4096 : i32
      %dma_start3A_152 = tpu.memref_slice %arg4[%add3A_148, %dma_start3A_151] : memref<51x16384xf32, #tpu.memory_space<hbm>> -> memref<1x4096xf32, #tpu.memory_space<hbm>>
      %dma_start3A_153 = tpu.memref_squeeze %dma_start3A_152 : memref<1x4096xf32, #tpu.memory_space<hbm>> -> memref<4096xf32, #tpu.memory_space<hbm>>
      %dma_start3A_154 = arith.constant 4096 : i32
      %dma_start3A_155 = tpu.memref_slice %arg4[%add3A_148, %dma_start3A_154] : memref<51x16384xf32, #tpu.memory_space<hbm>> -> memref<1x4096xf32, #tpu.memory_space<hbm>>
      %dma_start3A_156 = tpu.memref_squeeze %dma_start3A_155 : memref<1x4096xf32, #tpu.memory_space<hbm>> -> memref<4096xf32, #tpu.memory_space<hbm>>
      %dma_start3A_157 = arith.constant 4096 : i32
      %dma_start3A_158 = tpu.memref_slice %arg11[%dma_start3A_157] : memref<16384xf32, #tpu.memory_space<vmem>> -> memref<4096xf32, #tpu.memory_space<vmem>>
      tpu.enqueue_dma source(%dma_start3A_158 : memref<4096xf32, #tpu.memory_space<vmem>>) target(%dma_start3A_156 : memref<4096xf32, #tpu.memory_space<hbm>>) target_semaphore(%arg14 : memref<!tpu.dma_semaphore, #tpu.memory_space<semaphore_mem>>)
    } else {
    }
    %parallel_loop3A_66 = arith.constant 512 : i32
    %parallel_loop3A_67 = arith.constant 768 : i32
    %parallel_loop3A_68 = arith.constant 1 : i32
    scf.for %parallel_loop3A_147 = %parallel_loop3A_66 to %parallel_loop3A_67 step %parallel_loop3A_68  : i32 {
      %parallel_loop3A_148 = arith.constant 16 : i32
      %parallel_loop3A_149 = arith.muli %parallel_loop3A_147, %parallel_loop3A_148 : i32
      %parallel_loop3A_150 = arith.index_cast %parallel_loop3A_149 : i32 to index
      %parallel_loop3A_151 = tpu.vector_load %arg7[%parallel_loop3A_150] {strides = array<i32>} : memref<16384xi32, #tpu.memory_space<vmem>>, vector<16xi32>,
      %parallel_loop3A_152 = tpu.vector_load_idx %arg8[%parallel_loop3A_151] : memref<22801xf32, #tpu.memory_space<vmem>>[vector<16xi32>], vector<16xf32>,
      %parallel_loop3A_153 = arith.index_cast %parallel_loop3A_149 : i32 to index
      %parallel_loop3A_154 = tpu.vector_load %arg10[%parallel_loop3A_153] {strides = array<i32>} : memref<16384xf32, #tpu.memory_space<vmem>>, vector<16xf32>,
      tpu.vector_store %arg10[%parallel_loop3A_153], %parallel_loop3A_152 {strides = array<i32>} : memref<16384xf32, #tpu.memory_space<vmem>>, vector<16xf32>,
      %parallel_loop3A_155 = tpu.vector_load_idx %arg9[%parallel_loop3A_151] : memref<22801xf32, #tpu.memory_space<vmem>>[vector<16xi32>], vector<16xf32>,
      %parallel_loop3A_156 = arith.index_cast %parallel_loop3A_149 : i32 to index
      %parallel_loop3A_157 = tpu.vector_load %arg11[%parallel_loop3A_156] {strides = array<i32>} : memref<16384xf32, #tpu.memory_space<vmem>>, vector<16xf32>,
      tpu.vector_store %arg11[%parallel_loop3A_156], %parallel_loop3A_155 {strides = array<i32>} : memref<16384xf32, #tpu.memory_space<vmem>>, vector<16xf32>,
    } {sc.loop_unroll_factor = 4 : i64, sc.parallel_access}
    %dma_start3A_69 = arith.constant 8192 : i32
    %dma_start3A_70 = tpu.memref_slice %arg10[%dma_start3A_69] : memref<16384xf32, #tpu.memory_space<vmem>> -> memref<4096xf32, #tpu.memory_space<vmem>>
    %dma_start3A_71 = arith.constant 8192 : i32
    %dma_start3A_72 = tpu.memref_slice %arg4[%add3A, %dma_start3A_71] : memref<51x16384xf32, #tpu.memory_space<hbm>> -> memref<1x4096xf32, #tpu.memory_space<hbm>>
    %dma_start3A_73 = tpu.memref_squeeze %dma_start3A_72 : memref<1x4096xf32, #tpu.memory_space<hbm>> -> memref<4096xf32, #tpu.memory_space<hbm>>
    %dma_start3A_74 = arith.constant 8192 : i32
    %dma_start3A_75 = tpu.memref_slice %arg4[%add3A, %dma_start3A_74] : memref<51x16384xf32, #tpu.memory_space<hbm>> -> memref<1x4096xf32, #tpu.memory_space<hbm>>
    %dma_start3A_76 = tpu.memref_squeeze %dma_start3A_75 : memref<1x4096xf32, #tpu.memory_space<hbm>> -> memref<4096xf32, #tpu.memory_space<hbm>>
    %dma_start3A_77 = arith.constant 8192 : i32
    %dma_start3A_78 = tpu.memref_slice %arg10[%dma_start3A_77] : memref<16384xf32, #tpu.memory_space<vmem>> -> memref<4096xf32, #tpu.memory_space<vmem>>
    tpu.enqueue_dma source(%dma_start3A_78 : memref<4096xf32, #tpu.memory_space<vmem>>) target(%dma_start3A_76 : memref<4096xf32, #tpu.memory_space<hbm>>) target_semaphore(%arg13 : memref<!tpu.dma_semaphore, #tpu.memory_space<semaphore_mem>>)
    %lt3A_79 = arith.constant 19 : i32
    %lt3A_80 = arith.cmpi slt, %add3A, %lt3A_79 : i32
    %convert_element_type3A_81 = arith.extui %lt3A_80 : i1 to i32
    %cond3A_82 = arith.constant 0 : i32
    %cond3A_83 = arith.cmpi ne, %convert_element_type3A_81, %cond3A_82 : i32
    scf.if %cond3A_83 {
      %add3A_147 = arith.constant 32 : i32
      %add3A_148 = arith.addi %add3A, %add3A_147 : i32
      %dma_start3A_149 = arith.constant 8192 : i32
      %dma_start3A_150 = tpu.memref_slice %arg11[%dma_start3A_149] : memref<16384xf32, #tpu.memory_space<vmem>> -> memref<4096xf32, #tpu.memory_space<vmem>>
      %dma_start3A_151 = arith.constant 8192 : i32
      %dma_start3A_152 = tpu.memref_slice %arg4[%add3A_148, %dma_start3A_151] : memref<51x16384xf32, #tpu.memory_space<hbm>> -> memref<1x4096xf32, #tpu.memory_space<hbm>>
      %dma_start3A_153 = tpu.memref_squeeze %dma_start3A_152 : memref<1x4096xf32, #tpu.memory_space<hbm>> -> memref<4096xf32, #tpu.memory_space<hbm>>
      %dma_start3A_154 = arith.constant 8192 : i32
      %dma_start3A_155 = tpu.memref_slice %arg4[%add3A_148, %dma_start3A_154] : memref<51x16384xf32, #tpu.memory_space<hbm>> -> memref<1x4096xf32, #tpu.memory_space<hbm>>
      %dma_start3A_156 = tpu.memref_squeeze %dma_start3A_155 : memref<1x4096xf32, #tpu.memory_space<hbm>> -> memref<4096xf32, #tpu.memory_space<hbm>>
      %dma_start3A_157 = arith.constant 8192 : i32
      %dma_start3A_158 = tpu.memref_slice %arg11[%dma_start3A_157] : memref<16384xf32, #tpu.memory_space<vmem>> -> memref<4096xf32, #tpu.memory_space<vmem>>
      tpu.enqueue_dma source(%dma_start3A_158 : memref<4096xf32, #tpu.memory_space<vmem>>) target(%dma_start3A_156 : memref<4096xf32, #tpu.memory_space<hbm>>) target_semaphore(%arg14 : memref<!tpu.dma_semaphore, #tpu.memory_space<semaphore_mem>>)
    } else {
    }
    %parallel_loop3A_84 = arith.constant 768 : i32
    %parallel_loop3A_85 = arith.constant 1024 : i32
    %parallel_loop3A_86 = arith.constant 1 : i32
    scf.for %parallel_loop3A_147 = %parallel_loop3A_84 to %parallel_loop3A_85 step %parallel_loop3A_86  : i32 {
      %parallel_loop3A_148 = arith.constant 16 : i32
      %parallel_loop3A_149 = arith.muli %parallel_loop3A_147, %parallel_loop3A_148 : i32
      %parallel_loop3A_150 = arith.index_cast %parallel_loop3A_149 : i32 to index
      %parallel_loop3A_151 = tpu.vector_load %arg7[%parallel_loop3A_150] {strides = array<i32>} : memref<16384xi32, #tpu.memory_space<vmem>>, vector<16xi32>,
      %parallel_loop3A_152 = tpu.vector_load_idx %arg8[%parallel_loop3A_151] : memref<22801xf32, #tpu.memory_space<vmem>>[vector<16xi32>], vector<16xf32>,
      %parallel_loop3A_153 = arith.index_cast %parallel_loop3A_149 : i32 to index
      %parallel_loop3A_154 = tpu.vector_load %arg10[%parallel_loop3A_153] {strides = array<i32>} : memref<16384xf32, #tpu.memory_space<vmem>>, vector<16xf32>,
      tpu.vector_store %arg10[%parallel_loop3A_153], %parallel_loop3A_152 {strides = array<i32>} : memref<16384xf32, #tpu.memory_space<vmem>>, vector<16xf32>,
      %parallel_loop3A_155 = tpu.vector_load_idx %arg9[%parallel_loop3A_151] : memref<22801xf32, #tpu.memory_space<vmem>>[vector<16xi32>], vector<16xf32>,
      %parallel_loop3A_156 = arith.index_cast %parallel_loop3A_149 : i32 to index
      %parallel_loop3A_157 = tpu.vector_load %arg11[%parallel_loop3A_156] {strides = array<i32>} : memref<16384xf32, #tpu.memory_space<vmem>>, vector<16xf32>,
      tpu.vector_store %arg11[%parallel_loop3A_156], %parallel_loop3A_155 {strides = array<i32>} : memref<16384xf32, #tpu.memory_space<vmem>>, vector<16xf32>,
    } {sc.loop_unroll_factor = 4 : i64, sc.parallel_access}
    %dma_start3A_87 = arith.constant 12288 : i32
    %dma_start3A_88 = tpu.memref_slice %arg10[%dma_start3A_87] : memref<16384xf32, #tpu.memory_space<vmem>> -> memref<4096xf32, #tpu.memory_space<vmem>>
    %dma_start3A_89 = arith.constant 12288 : i32
    %dma_start3A_90 = tpu.memref_slice %arg4[%add3A, %dma_start3A_89] : memref<51x16384xf32, #tpu.memory_space<hbm>> -> memref<1x4096xf32, #tpu.memory_space<hbm>>
    %dma_start3A_91 = tpu.memref_squeeze %dma_start3A_90 : memref<1x4096xf32, #tpu.memory_space<hbm>> -> memref<4096xf32, #tpu.memory_space<hbm>>
    %dma_start3A_92 = arith.constant 12288 : i32
    %dma_start3A_93 = tpu.memref_slice %arg4[%add3A, %dma_start3A_92] : memref<51x16384xf32, #tpu.memory_space<hbm>> -> memref<1x4096xf32, #tpu.memory_space<hbm>>
    %dma_start3A_94 = tpu.memref_squeeze %dma_start3A_93 : memref<1x4096xf32, #tpu.memory_space<hbm>> -> memref<4096xf32, #tpu.memory_space<hbm>>
    %dma_start3A_95 = arith.constant 12288 : i32
    %dma_start3A_96 = tpu.memref_slice %arg10[%dma_start3A_95] : memref<16384xf32, #tpu.memory_space<vmem>> -> memref<4096xf32, #tpu.memory_space<vmem>>
    tpu.enqueue_dma source(%dma_start3A_96 : memref<4096xf32, #tpu.memory_space<vmem>>) target(%dma_start3A_94 : memref<4096xf32, #tpu.memory_space<hbm>>) target_semaphore(%arg13 : memref<!tpu.dma_semaphore, #tpu.memory_space<semaphore_mem>>)
    %lt3A_97 = arith.constant 19 : i32
    %lt3A_98 = arith.cmpi slt, %add3A, %lt3A_97 : i32
    %convert_element_type3A_99 = arith.extui %lt3A_98 : i1 to i32
    %cond3A_100 = arith.constant 0 : i32
    %cond3A_101 = arith.cmpi ne, %convert_element_type3A_99, %cond3A_100 : i32
    scf.if %cond3A_101 {
      %add3A_147 = arith.constant 32 : i32
      %add3A_148 = arith.addi %add3A, %add3A_147 : i32
      %dma_start3A_149 = arith.constant 12288 : i32
      %dma_start3A_150 = tpu.memref_slice %arg11[%dma_start3A_149] : memref<16384xf32, #tpu.memory_space<vmem>> -> memref<4096xf32, #tpu.memory_space<vmem>>
      %dma_start3A_151 = arith.constant 12288 : i32
      %dma_start3A_152 = tpu.memref_slice %arg4[%add3A_148, %dma_start3A_151] : memref<51x16384xf32, #tpu.memory_space<hbm>> -> memref<1x4096xf32, #tpu.memory_space<hbm>>
      %dma_start3A_153 = tpu.memref_squeeze %dma_start3A_152 : memref<1x4096xf32, #tpu.memory_space<hbm>> -> memref<4096xf32, #tpu.memory_space<hbm>>
      %dma_start3A_154 = arith.constant 12288 : i32
      %dma_start3A_155 = tpu.memref_slice %arg4[%add3A_148, %dma_start3A_154] : memref<51x16384xf32, #tpu.memory_space<hbm>> -> memref<1x4096xf32, #tpu.memory_space<hbm>>
      %dma_start3A_156 = tpu.memref_squeeze %dma_start3A_155 : memref<1x4096xf32, #tpu.memory_space<hbm>> -> memref<4096xf32, #tpu.memory_space<hbm>>
      %dma_start3A_157 = arith.constant 12288 : i32
      %dma_start3A_158 = tpu.memref_slice %arg11[%dma_start3A_157] : memref<16384xf32, #tpu.memory_space<vmem>> -> memref<4096xf32, #tpu.memory_space<vmem>>
      tpu.enqueue_dma source(%dma_start3A_158 : memref<4096xf32, #tpu.memory_space<vmem>>) target(%dma_start3A_156 : memref<4096xf32, #tpu.memory_space<hbm>>) target_semaphore(%arg14 : memref<!tpu.dma_semaphore, #tpu.memory_space<semaphore_mem>>)
    } else {
    }
    %dma_wait3A_102 = arith.constant 0 : i32
    %dma_wait3A_103 = tpu.memref_slice %arg10[%dma_wait3A_102] : memref<16384xf32, #tpu.memory_space<vmem>> -> memref<4096xf32, #tpu.memory_space<vmem>>
    %dma_wait3A_104 = arith.constant 0 : i32
    %dma_wait3A_105 = tpu.memref_slice %arg4[%add3A, %dma_wait3A_104] : memref<51x16384xf32, #tpu.memory_space<hbm>> -> memref<1x4096xf32, #tpu.memory_space<hbm>>
    %dma_wait3A_106 = tpu.memref_squeeze %dma_wait3A_105 : memref<1x4096xf32, #tpu.memory_space<hbm>> -> memref<4096xf32, #tpu.memory_space<hbm>>
    %dma_wait3A_107 = arith.constant 0 : i32
    %dma_wait3A_108 = tpu.memref_slice %arg4[%add3A, %dma_wait3A_107] : memref<51x16384xf32, #tpu.memory_space<hbm>> -> memref<1x4096xf32, #tpu.memory_space<hbm>>
    %dma_wait3A_109 = tpu.memref_squeeze %dma_wait3A_108 : memref<1x4096xf32, #tpu.memory_space<hbm>> -> memref<4096xf32, #tpu.memory_space<hbm>>
    %dma_wait3A_110 = arith.constant 0 : i32
    %dma_wait3A_111 = tpu.memref_slice %arg10[%dma_wait3A_110] : memref<16384xf32, #tpu.memory_space<vmem>> -> memref<4096xf32, #tpu.memory_space<vmem>>
    tpu.wait_dma2 semaphore(%arg13 : memref<!tpu.dma_semaphore, #tpu.memory_space<semaphore_mem>>) src(%dma_wait3A_111 : memref<4096xf32, #tpu.memory_space<vmem>>) dst(%dma_wait3A_109 : memref<4096xf32, #tpu.memory_space<hbm>>)
    %dma_wait3A_112 = arith.constant 4096 : i32
    %dma_wait3A_113 = tpu.memref_slice %arg10[%dma_wait3A_112] : memref<16384xf32, #tpu.memory_space<vmem>> -> memref<4096xf32, #tpu.memory_space<vmem>>
    %dma_wait3A_114 = arith.constant 4096 : i32
    %dma_wait3A_115 = tpu.memref_slice %arg4[%add3A, %dma_wait3A_114] : memref<51x16384xf32, #tpu.memory_space<hbm>> -> memref<1x4096xf32, #tpu.memory_space<hbm>>
    %dma_wait3A_116 = tpu.memref_squeeze %dma_wait3A_115 : memref<1x4096xf32, #tpu.memory_space<hbm>> -> memref<4096xf32, #tpu.memory_space<hbm>>
    %dma_wait3A_117 = arith.constant 4096 : i32
    %dma_wait3A_118 = tpu.memref_slice %arg4[%add3A, %dma_wait3A_117] : memref<51x16384xf32, #tpu.memory_space<hbm>> -> memref<1x4096xf32, #tpu.memory_space<hbm>>
    %dma_wait3A_119 = tpu.memref_squeeze %dma_wait3A_118 : memref<1x4096xf32, #tpu.memory_space<hbm>> -> memref<4096xf32, #tpu.memory_space<hbm>>
    %dma_wait3A_120 = arith.constant 4096 : i32
    %dma_wait3A_121 = tpu.memref_slice %arg10[%dma_wait3A_120] : memref<16384xf32, #tpu.memory_space<vmem>> -> memref<4096xf32, #tpu.memory_space<vmem>>
    tpu.wait_dma2 semaphore(%arg13 : memref<!tpu.dma_semaphore, #tpu.memory_space<semaphore_mem>>) src(%dma_wait3A_121 : memref<4096xf32, #tpu.memory_space<vmem>>) dst(%dma_wait3A_119 : memref<4096xf32, #tpu.memory_space<hbm>>)
    %dma_wait3A_122 = arith.constant 8192 : i32
    %dma_wait3A_123 = tpu.memref_slice %arg10[%dma_wait3A_122] : memref<16384xf32, #tpu.memory_space<vmem>> -> memref<4096xf32, #tpu.memory_space<vmem>>
    %dma_wait3A_124 = arith.constant 8192 : i32
    %dma_wait3A_125 = tpu.memref_slice %arg4[%add3A, %dma_wait3A_124] : memref<51x16384xf32, #tpu.memory_space<hbm>> -> memref<1x4096xf32, #tpu.memory_space<hbm>>
    %dma_wait3A_126 = tpu.memref_squeeze %dma_wait3A_125 : memref<1x4096xf32, #tpu.memory_space<hbm>> -> memref<4096xf32, #tpu.memory_space<hbm>>
    %dma_wait3A_127 = arith.constant 8192 : i32
    %dma_wait3A_128 = tpu.memref_slice %arg4[%add3A, %dma_wait3A_127] : memref<51x16384xf32, #tpu.memory_space<hbm>> -> memref<1x4096xf32, #tpu.memory_space<hbm>>
    %dma_wait3A_129 = tpu.memref_squeeze %dma_wait3A_128 : memref<1x4096xf32, #tpu.memory_space<hbm>> -> memref<4096xf32, #tpu.memory_space<hbm>>
    %dma_wait3A_130 = arith.constant 8192 : i32
    %dma_wait3A_131 = tpu.memref_slice %arg10[%dma_wait3A_130] : memref<16384xf32, #tpu.memory_space<vmem>> -> memref<4096xf32, #tpu.memory_space<vmem>>
    tpu.wait_dma2 semaphore(%arg13 : memref<!tpu.dma_semaphore, #tpu.memory_space<semaphore_mem>>) src(%dma_wait3A_131 : memref<4096xf32, #tpu.memory_space<vmem>>) dst(%dma_wait3A_129 : memref<4096xf32, #tpu.memory_space<hbm>>)
    %dma_wait3A_132 = arith.constant 12288 : i32
    %dma_wait3A_133 = tpu.memref_slice %arg10[%dma_wait3A_132] : memref<16384xf32, #tpu.memory_space<vmem>> -> memref<4096xf32, #tpu.memory_space<vmem>>
    %dma_wait3A_134 = arith.constant 12288 : i32
    %dma_wait3A_135 = tpu.memref_slice %arg4[%add3A, %dma_wait3A_134] : memref<51x16384xf32, #tpu.memory_space<hbm>> -> memref<1x4096xf32, #tpu.memory_space<hbm>>
    %dma_wait3A_136 = tpu.memref_squeeze %dma_wait3A_135 : memref<1x4096xf32, #tpu.memory_space<hbm>> -> memref<4096xf32, #tpu.memory_space<hbm>>
    %dma_wait3A_137 = arith.constant 12288 : i32
    %dma_wait3A_138 = tpu.memref_slice %arg4[%add3A, %dma_wait3A_137] : memref<51x16384xf32, #tpu.memory_space<hbm>> -> memref<1x4096xf32, #tpu.memory_space<hbm>>
    %dma_wait3A_139 = tpu.memref_squeeze %dma_wait3A_138 : memref<1x4096xf32, #tpu.memory_space<hbm>> -> memref<4096xf32, #tpu.memory_space<hbm>>
    %dma_wait3A_140 = arith.constant 12288 : i32
    %dma_wait3A_141 = tpu.memref_slice %arg10[%dma_wait3A_140] : memref<16384xf32, #tpu.memory_space<vmem>> -> memref<4096xf32, #tpu.memory_space<vmem>>
    tpu.wait_dma2 semaphore(%arg13 : memref<!tpu.dma_semaphore, #tpu.memory_space<semaphore_mem>>) src(%dma_wait3A_141 : memref<4096xf32, #tpu.memory_space<vmem>>) dst(%dma_wait3A_139 : memref<4096xf32, #tpu.memory_space<hbm>>)
    %lt3A_142 = arith.constant 19 : i32
    %lt3A_143 = arith.cmpi slt, %add3A, %lt3A_142 : i32
    %convert_element_type3A_144 = arith.extui %lt3A_143 : i1 to i32
    %cond3A_145 = arith.constant 0 : i32
    %cond3A_146 = arith.cmpi ne, %convert_element_type3A_144, %cond3A_145 : i32
    scf.if %cond3A_146 {
      %add3A_147 = arith.constant 32 : i32
      %add3A_148 = arith.addi %add3A, %add3A_147 : i32
      %dma_wait3A_149 = arith.constant 0 : i32
      %dma_wait3A_150 = tpu.memref_slice %arg11[%dma_wait3A_149] : memref<16384xf32, #tpu.memory_space<vmem>> -> memref<4096xf32, #tpu.memory_space<vmem>>
      %dma_wait3A_151 = arith.constant 0 : i32
      %dma_wait3A_152 = tpu.memref_slice %arg4[%add3A_148, %dma_wait3A_151] : memref<51x16384xf32, #tpu.memory_space<hbm>> -> memref<1x4096xf32, #tpu.memory_space<hbm>>
      %dma_wait3A_153 = tpu.memref_squeeze %dma_wait3A_152 : memref<1x4096xf32, #tpu.memory_space<hbm>> -> memref<4096xf32, #tpu.memory_space<hbm>>
      %dma_wait3A_154 = arith.constant 0 : i32
      %dma_wait3A_155 = tpu.memref_slice %arg4[%add3A_148, %dma_wait3A_154] : memref<51x16384xf32, #tpu.memory_space<hbm>> -> memref<1x4096xf32, #tpu.memory_space<hbm>>
      %dma_wait3A_156 = tpu.memref_squeeze %dma_wait3A_155 : memref<1x4096xf32, #tpu.memory_space<hbm>> -> memref<4096xf32, #tpu.memory_space<hbm>>
      %dma_wait3A_157 = arith.constant 0 : i32
      %dma_wait3A_158 = tpu.memref_slice %arg11[%dma_wait3A_157] : memref<16384xf32, #tpu.memory_space<vmem>> -> memref<4096xf32, #tpu.memory_space<vmem>>
      tpu.wait_dma2 semaphore(%arg14 : memref<!tpu.dma_semaphore, #tpu.memory_space<semaphore_mem>>) src(%dma_wait3A_158 : memref<4096xf32, #tpu.memory_space<vmem>>) dst(%dma_wait3A_156 : memref<4096xf32, #tpu.memory_space<hbm>>)
      %add3A_159 = arith.constant 32 : i32
      %add3A_160 = arith.addi %add3A, %add3A_159 : i32
      %dma_wait3A_161 = arith.constant 4096 : i32
      %dma_wait3A_162 = tpu.memref_slice %arg11[%dma_wait3A_161] : memref<16384xf32, #tpu.memory_space<vmem>> -> memref<4096xf32, #tpu.memory_space<vmem>>
      %dma_wait3A_163 = arith.constant 4096 : i32
      %dma_wait3A_164 = tpu.memref_slice %arg4[%add3A_160, %dma_wait3A_163] : memref<51x16384xf32, #tpu.memory_space<hbm>> -> memref<1x4096xf32, #tpu.memory_space<hbm>>
      %dma_wait3A_165 = tpu.memref_squeeze %dma_wait3A_164 : memref<1x4096xf32, #tpu.memory_space<hbm>> -> memref<4096xf32, #tpu.memory_space<hbm>>
      %dma_wait3A_166 = arith.constant 4096 : i32
      %dma_wait3A_167 = tpu.memref_slice %arg4[%add3A_160, %dma_wait3A_166] : memref<51x16384xf32, #tpu.memory_space<hbm>> -> memref<1x4096xf32, #tpu.memory_space<hbm>>
      %dma_wait3A_168 = tpu.memref_squeeze %dma_wait3A_167 : memref<1x4096xf32, #tpu.memory_space<hbm>> -> memref<4096xf32, #tpu.memory_space<hbm>>
      %dma_wait3A_169 = arith.constant 4096 : i32
      %dma_wait3A_170 = tpu.memref_slice %arg11[%dma_wait3A_169] : memref<16384xf32, #tpu.memory_space<vmem>> -> memref<4096xf32, #tpu.memory_space<vmem>>
      tpu.wait_dma2 semaphore(%arg14 : memref<!tpu.dma_semaphore, #tpu.memory_space<semaphore_mem>>) src(%dma_wait3A_170 : memref<4096xf32, #tpu.memory_space<vmem>>) dst(%dma_wait3A_168 : memref<4096xf32, #tpu.memory_space<hbm>>)
      %add3A_171 = arith.constant 32 : i32
      %add3A_172 = arith.addi %add3A, %add3A_171 : i32
      %dma_wait3A_173 = arith.constant 8192 : i32
      %dma_wait3A_174 = tpu.memref_slice %arg11[%dma_wait3A_173] : memref<16384xf32, #tpu.memory_space<vmem>> -> memref<4096xf32, #tpu.memory_space<vmem>>
      %dma_wait3A_175 = arith.constant 8192 : i32
      %dma_wait3A_176 = tpu.memref_slice %arg4[%add3A_172, %dma_wait3A_175] : memref<51x16384xf32, #tpu.memory_space<hbm>> -> memref<1x4096xf32, #tpu.memory_space<hbm>>
      %dma_wait3A_177 = tpu.memref_squeeze %dma_wait3A_176 : memref<1x4096xf32, #tpu.memory_space<hbm>> -> memref<4096xf32, #tpu.memory_space<hbm>>
      %dma_wait3A_178 = arith.constant 8192 : i32
      %dma_wait3A_179 = tpu.memref_slice %arg4[%add3A_172, %dma_wait3A_178] : memref<51x16384xf32, #tpu.memory_space<hbm>> -> memref<1x4096xf32, #tpu.memory_space<hbm>>
      %dma_wait3A_180 = tpu.memref_squeeze %dma_wait3A_179 : memref<1x4096xf32, #tpu.memory_space<hbm>> -> memref<4096xf32, #tpu.memory_space<hbm>>
      %dma_wait3A_181 = arith.constant 8192 : i32
      %dma_wait3A_182 = tpu.memref_slice %arg11[%dma_wait3A_181] : memref<16384xf32, #tpu.memory_space<vmem>> -> memref<4096xf32, #tpu.memory_space<vmem>>
      tpu.wait_dma2 semaphore(%arg14 : memref<!tpu.dma_semaphore, #tpu.memory_space<semaphore_mem>>) src(%dma_wait3A_182 : memref<4096xf32, #tpu.memory_space<vmem>>) dst(%dma_wait3A_180 : memref<4096xf32, #tpu.memory_space<hbm>>)
      %add3A_183 = arith.constant 32 : i32
      %add3A_184 = arith.addi %add3A, %add3A_183 : i32
      %dma_wait3A_185 = arith.constant 12288 : i32
      %dma_wait3A_186 = tpu.memref_slice %arg11[%dma_wait3A_185] : memref<16384xf32, #tpu.memory_space<vmem>> -> memref<4096xf32, #tpu.memory_space<vmem>>
      %dma_wait3A_187 = arith.constant 12288 : i32
      %dma_wait3A_188 = tpu.memref_slice %arg4[%add3A_184, %dma_wait3A_187] : memref<51x16384xf32, #tpu.memory_space<hbm>> -> memref<1x4096xf32, #tpu.memory_space<hbm>>
      %dma_wait3A_189 = tpu.memref_squeeze %dma_wait3A_188 : memref<1x4096xf32, #tpu.memory_space<hbm>> -> memref<4096xf32, #tpu.memory_space<hbm>>
      %dma_wait3A_190 = arith.constant 12288 : i32
      %dma_wait3A_191 = tpu.memref_slice %arg4[%add3A_184, %dma_wait3A_190] : memref<51x16384xf32, #tpu.memory_space<hbm>> -> memref<1x4096xf32, #tpu.memory_space<hbm>>
      %dma_wait3A_192 = tpu.memref_squeeze %dma_wait3A_191 : memref<1x4096xf32, #tpu.memory_space<hbm>> -> memref<4096xf32, #tpu.memory_space<hbm>>
      %dma_wait3A_193 = arith.constant 12288 : i32
      %dma_wait3A_194 = tpu.memref_slice %arg11[%dma_wait3A_193] : memref<16384xf32, #tpu.memory_space<vmem>> -> memref<4096xf32, #tpu.memory_space<vmem>>
      tpu.wait_dma2 semaphore(%arg14 : memref<!tpu.dma_semaphore, #tpu.memory_space<semaphore_mem>>) src(%dma_wait3A_194 : memref<4096xf32, #tpu.memory_space<vmem>>) dst(%dma_wait3A_192 : memref<4096xf32, #tpu.memory_space<hbm>>)
    } else {
    }
    return
  }
}

</mosaic_0001>

<sc_bundles>
// kernel: kernel.3.cloned.1.call-start
scs
__scs_entry_jumppad:
0x0: {  	(pc) =	sbr.rel $0x88, $3  }
0x1: {  	(tag) =	ssettag $0x0;
	lr =	simm.s32 $0x1  }
0x2: {  	[smem:$0x3F9F] =	sst lr;
	_ =	strace $0xD0000000  }
0x3: {  	_ = 	snop  }
0x4: {  	_ = 	snop  }
0x5: {  	_ = 	snop  }
0x6: {  	_ = 	snop  }
0x7: {  	_ = 	snop  }
__scs_overlays_trampoline_lowered:
0x8: {  	[smem:$0x3FAE] =	sst s0  }
0x9: {  	[smem:$0x3FAF] =	sst s1  }
0xa: {  	[smem:$0x3FB0] =	sst s2  }
0xb: {  	[smem:$0x3FB1] =	sst s3  }
0xc: {  	[smem:$0x3FB2] =	sst s4  }
0xd: {  	[smem:$0x3FB3] =	sst s5  }
0xe: {  	[smem:$0x3FB4] =	sst s6  }
0xf: {  	[smem:$0x3FB5] =	sst s7  }
0x10: {  	[smem:$0x3FB6] =	sst s8  }
0x11: {  	[smem:$0x3FB7] =	sst s9;
	s0 =	simm.s32 @!p0 $0x0  }
0x12: {  	s1 =	sld [smem:$0x3F9D];
	s0 =	simm.s32 @p0 $0x1  }
0x13: {  	[smem:$0x3FB8] =	sst s0;
	s0 =	simm.s32 @!p1 $0x0  }
0x14: {  	s2 =	sld [smem:$0x3F9C];
	s0 =	simm.s32 @p1 $0x1  }
0x15: {  	[smem:$0x3FB9] =	sst s0;
	s0 =	simm.s32 @!p2 $0x0  }
0x16: {  	s3 =	sld [smem:$0x3FDB];
	s0 =	simm.s32 @p2 $0x1  }
0x17: {  	s4 =	simm.s32 $0x1BF5;
	[smem:$0x3FBB] =	sst s0  }
0x18: {  	s0 =	sld [smem:$0x3F9E];
	_ =	swait.ge [sflag:s4], $0x0  }
0x19: {  	s7 =	sld [smem:$0x3F9F]  }
0x1a: {  	s8 =	sadd.s32 $0xFFFFE003, lr  }
0x1b: {  	s9 =	sadd.s32 $0xFFFFFEF7, lr;
	s5 =	simm.s32 $0xFFFFFFFF;
	p2 =	slt.u32 s8, $0xFFFFF086  }
0x1c: {  	p1 =	slt.u32 s9, $0xF7A;
	s5 =	simm.s32 @!p2 $0x0  }
0x1d: {  	s5 =	simm.s32 @p1 $0x1;
	p0 =	seq.s32 s7, s2  }
0x1e: {  	s7 =	smul.u32 @!p0 $0xF7A, s2;
	p2 =	seq.s32 @!p0 s5, $0x0  }
0x1f: {  	s9 =	smul.u32 $0xF7A, s1;
	s8 =	simm.s32 @!p0 $0x1BF5;
	p2 =	por !p2, p0  }
0x20: {  	[sflag:s8] =	ssyncset.s32 @!p0 $0xFFFFF086;
	s6 =	sadd.s32 @!p0 s3, s7;
	s7 =	simm.s32 @!p0 $0x108  }
0x21: {  	s3 =	sadd.s32 s3, s9;
	s6 =	sadd.s32 @!p0 $0x88, s6;
	s7 =	simm.s32 @p2 $0x1082  }
0x22: {  	[simem:s7], [sflag:s8] =	dma.local @!p0 [hbm:s6], $0xF7A  }
0x23: {  	s9 =	sor.u32 $0xD0000000, s2;
	s6 =	simm.s32 $0x108;
	_ =	swait.ge @!p0 [sflag:s8], $0x0  }
0x24: {  	s3 =	sadd.s32 $0x88, s3;
	s6 =	simm.s32 @!p1 $0x1082;
	[sflag:s4] =	ssyncset.s32 $0xFFFFF086  }
0x25: {  	[simem:s6], [sflag:s4] =	dma.local [hbm:s3], $0xF7A  }
0x26: {  	[smem:$0x3F9F] =	sst s1;
	(tag) =	ssettag s2;
	_ =	strace s9  }
0x27: {  	s1 =	sld [smem:$0x3FAF]  }
0x28: {  	s2 =	sld [smem:$0x3FB0]  }
0x29: {  	s4 =	sld [smem:$0x3FB2]  }
0x2a: {  	p0 =	seq.s32 s5, $0x0;
	s5 =	sld [smem:$0x3FB3]  }
0x2b: {  	s6 =	sld [smem:$0x3FB4]  }
0x2c: {  	s7 =	sld [smem:$0x3FB5]  }
0x2d: {  	s3 =	simm.s32 $0x108;
	s8 =	sld [smem:$0x3FB6]  }
0x2e: {  	s3 =	simm.s32 @!p0 $0x1082;
	s9 =	sld [smem:$0x3FB7]  }
0x2f: {  	lr =	sadd.s32 s0, s3;
	s0 =	sld [smem:$0x3FAE]  }
0x30: {  	s3 =	sld [smem:$0x3FB1]  }
0x31: {  	[smem:$0x3FBA] =	sst s10  }
0x32: {  	s10 =	sld [smem:$0x3FB8];
	_ =	sdelay $0x3  }
0x33: {  	p0 =	seq.s32 s10, $0x1;
	s10 =	sld [smem:$0x3FBA];
	_ =	sdelay $0x3  }
0x34: {  	[smem:$0x3FBA] =	sst s10  }
0x35: {  	s10 =	sld [smem:$0x3FB9];
	_ =	sdelay $0x3  }
0x36: {  	p1 =	seq.s32 s10, $0x1;
	s10 =	sld [smem:$0x3FBA];
	_ =	sdelay $0x3  }
0x37: {  	[smem:$0x3FBA] =	sst s10  }
0x38: {  	s10 =	sld [smem:$0x3FBB]  }
0x39: {  	_ = 	snop;
	(pc) =	sbr.ind lr, $3  }
0x3a: {  	_ = 	snop  }
0x3b: {  	_ = 	snop  }
0x3c: {  	p2 =	seq.s32 s10, $0x1;
	s10 =	sld [smem:$0x3FBA]  }
0x3d: {  	_ =	shalt  }
0x3e: {  	_ =	shalt  }
0x3f: {  	_ =	shalt  }
0x40: {  	_ =	shalt  }
0x41: {  	_ =	shalt  }
0x42: {  	_ =	shalt  }
0x43: {  	_ =	shalt  }
0x44: {  	_ =	shalt  }
0x45: {  	_ =	shalt  }
0x46: {  	_ =	shalt  }
0x47: {  	_ =	shalt  }
0x48: {  	_ =	shalt  }
0x49: {  	_ =	shalt  }
0x4a: {  	_ =	shalt  }
0x4b: {  	_ =	shalt  }
0x4c: {  	_ =	shalt  }
0x4d: {  	_ =	shalt  }
0x4e: {  	_ =	shalt  }
0x4f: {  	_ =	shalt  }
0x50: {  	_ =	shalt  }
0x51: {  	_ =	shalt  }
0x52: {  	_ =	shalt  }
0x53: {  	_ =	shalt  }
0x54: {  	_ =	shalt  }
0x55: {  	_ =	shalt  }
0x56: {  	_ =	shalt  }
0x57: {  	_ =	shalt  }
0x58: {  	_ =	shalt  }
0x59: {  	_ =	shalt  }
0x5a: {  	_ =	shalt  }
0x5b: {  	_ =	shalt  }
0x5c: {  	_ =	shalt  }
0x5d: {  	_ =	shalt  }
0x5e: {  	_ =	shalt  }
0x5f: {  	_ =	shalt  }
0x60: {  	_ =	shalt  }
0x61: {  	_ =	shalt  }
0x62: {  	_ =	shalt  }
0x63: {  	_ =	shalt  }
0x64: {  	_ =	shalt  }
0x65: {  	_ =	shalt  }
0x66: {  	_ =	shalt  }
0x67: {  	_ =	shalt  }
0x68: {  	_ =	shalt  }
0x69: {  	_ =	shalt  }
0x6a: {  	_ =	shalt  }
0x6b: {  	_ =	shalt  }
0x6c: {  	_ =	shalt  }
0x6d: {  	_ =	shalt  }
0x6e: {  	_ =	shalt  }
0x6f: {  	_ =	shalt  }
0x70: {  	_ =	shalt  }
0x71: {  	_ =	shalt  }
0x72: {  	_ =	shalt  }
0x73: {  	_ =	shalt  }
0x74: {  	_ =	shalt  }
0x75: {  	_ =	shalt  }
0x76: {  	_ =	shalt  }
0x77: {  	_ =	shalt  }
0x78: {  	_ =	shalt  }
0x79: {  	_ =	shalt  }
0x7a: {  	_ =	shalt  }
0x7b: {  	_ =	shalt  }
0x7c: {  	_ =	shalt  }
0x7d: {  	_ =	shalt  }
0x7e: {  	_ =	shalt  }
0x7f: {  	_ =	shalt  }
0x80: {  	_ =	shalt  }
0x81: {  	_ =	shalt  }
0x82: {  	_ =	shalt  }
0x83: {  	_ =	shalt  }
0x84: {  	_ =	shalt  }
0x85: {  	_ =	shalt  }
0x86: {  	_ =	shalt  }
0x87: {  	_ =	shalt  }
.Lfunc_end0:
.L_simem_size_0:
called_computation_lowered:
.L_overlay_start_0:
0x88: {  	s2 =	sld [smem:$0x3FD9]  }
0x89: {  	s3 =	sld [smem:$0x3FFE];
	_ =	sdelay $0x1  }
0x8a: {  	s1 =	srdreg.scid  }
0x8b: {  	s0 =	sand.u32 $0x1, s1  }
0x8c: {  	s18 =	sshll.u32 s0, $0xA;
	s2 =	sadd.s32 s3, s2  }
0x8d: {  	s2 =	sadd.s32 s2, s18  }
0x8e: {  	[smem:$0x3FC6] =	sst s2  }
0x8f: {  	_ = 	snop  }
0x90: {  	s2 =	sld [smem:$0x3FC9]  }
0x91: {  	s19 =	sld [smem:$0x3FC8]  }
0x92: {  	s4 =	sld [smem:$0x3FD0];
	(tm) =	ssettm $0x1  }
0x93: {  	s5 =	sld [smem:$0x3FFB];
	_ =	sdelay $0x3  }
0x94: {  	_ =	strace s5  }
0x95: {  	s5 =	sld [smem:$0x3FFC];
	_ =	sdelay $0x3  }
0x96: {  	_ =	strace s5  }
0x97: {  	s5 =	sld [smem:$0x3FFD];
	_ =	sdelay $0x3  }
0x98: {  	_ =	strace s5  }
0x99: {  	_ =	strace $0x8FFFFFFF  }
0x9a: {  	s20 =	sld [smem:$0x3FDB];
	_ =	sdelay $0x1  }
0x9b: {  	s6 =	simm.s32 $_scs_section_size  }
0x9c: {  	s7 =	simm.s32 $_size__tile_overlayer_lowered;
	s8 =	simm.s32 $_tile_overlayer_lowered  }
0x9d: {  	s23 =	simm.s32 $0x1BFF;
	s22 =	sshll.u32 s8, $0x1;
	s5 =	sadd.s32 s6, s20  }
0x9e: {  	s9 =	simm.s32 $0x0;
	s21 =	sshll.u32 s7, $0x1;
	s7 =	sadd.s32 s22, s5  }
0x9f: {  	[timem:s9], [sflag:s23] =	dma.local [hbm:s7], s21  }
0xa0: {  	_ =	swait.ge [sflag:s23], s21  }
0xa1: {  	s6 =	ssub.s32 $0x0, s21;
	[sflag:s23] =	ssyncset.done $0x0  }
0xa2: {  	[sflag:s23] =	ssyncadd.s32 s6;
	_ =	sdelay $0x1  }
0xa3: {  	s24 =	simm.s32 $0x1B8B  }
0xa4: {  	_ =	swait.ge [sflag:s24], $0x1  }
0xa5: {  	[sflag:s24] =	ssyncset.done $0x0  }
0xa6: {  	s25 =	simm.s32 $0x1B8E;
	[sflag:s24] =	ssyncadd.s32 $0xFFFFFFFF  }
0xa7: {  	s26 =	simm.s32 $execute0_lowered;
	[smem:$0x3FD2] =	sst s25  }
0xa8: {  	s6 =	sshll.u32 s26, $0x1;
	_ =	strace $0x80000046;
	[dreg:$0x1] =	wrdreg $0xFFFFFFFF  }
0xa9: {  	s28 =	simm.s32 $_size_execute0_lowered;
	s5 =	sadd.s32 s5, s6;
	[dreg:$0x0] =	wrdreg $0x0  }
0xaa: {  	s6 =	sshll.u32 s28, $0x1;
	[dreg:$0x2] =	wrdreg s5  }
0xab: {  	[dreg:$0x3] =	wrdreg s6  }
0xac: {  	[dreg:$0x4] =	wrdreg $0xC0  }
0xad: {  	_ =	task [dreg:s9], $0x5FFFF  }
0xae: {  	[dreg:$0x1] =	wrdreg $0xFFFFFFFF  }
0xaf: {  	[dreg:$0x0] =	wrdreg $0x60  }
0xb0: {  	[dreg:$0x2] =	wrdreg s2  }
0xb1: {  	[dreg:$0x3] =	wrdreg s19  }
0xb2: {  	[dreg:$0x4] =	wrdreg s4  }
0xb3: {  	[dreg:$0x5] =	wrdreg $0x17F000  }
0xb4: {  	[dreg:$0x6] =	wrdreg $0x9  }
0xb5: {  	_ =	task.clear_ibuf [dreg:s9], $0x7FFFF;
	_ =	strace $0x90000046  }
0xb6: {  	s29 =	simm.s32 $0x9;
	_ =	strace $0x80000048  }
0xb7: {  	_ =	swait.ge [sflag:s29], $0x1  }
0xb8: {  	[sflag:s29] =	ssyncadd.s32 $0xFFFFFFFF  }
0xb9: {  	_ =	strace $0x90000048  }
0xba: {  	_ =	sfence  }
0xbb: {  	s30 =	sld [smem:$0x0];
	_ =	sdelay $0x2  }
0xbc: {  	s31 =	sshll.u32 s1, $0xD;
	s1 =	sshrl.u32 s1, $0x2  }
0xbd: {  	s3 =	sand.u32 $0x4000, s31;
	s1 =	sadd.s32 s1, s30  }
0xbe: {  	s0 =	sor.u32 s3, s0;
	s1 =	sshll.u32 s1, $0x11  }
0xbf: {  	s0 =	sor.u32 s1, s0  }
0xc0: {  	s0 =	sadd.s32 $0x8F2B, s0  }
0xc1: {  	[sflag:s0] =	ssyncadd.remote.s32 $0x1  }
0xc2: {  	_ =	sfence.sel $0xFFFF  }
0xc3: {  	[dreg:$0x0] =	wrdreg $0xFFFFFFFF;
	(pc) =	sbr.abs _section_cstart, $3  }
0xc4: {  	[dreg:$0x1] =	wrdreg $0xFFFFFFFF  }
0xc5: {  	_ =	task.clear_ibuf [dreg:s9], $0x2FFFF;
	_ =	strace $0x9FFFFFFF  }
0xc6: {  	(tm) =	ssettm $0x7FFFFFFF  }
0xc7: {  	_ =	shalt  }
tec
execute0_lowered:
.L_overlay_start_1:
0x0: {  	(tag) =	ssettag $0x1  }
0x1: {  	s0 =	rddreg [dreg:$0x0]  }
0x2: {  	s1 =	rddreg [dreg:$0x1]  }
0x3: {  	s2 =	rddreg [dreg:$0x2]  }
0x4: {  	s13 =	rddreg [dreg:$0x3];
	s3 =	simm.s32 $0x0;
	s4 =	srdreg.scid  }
0x5: {  	s12 =	stileid.u32;
	s31 =	simm.s32 $0x0;
	[smem:$0x7FF] =	sst s3  }
0x6: {  	s4 =	sand.u32 $0x1, s4;
	s5 =	sshll.u32 s12, $0x1;
	s7 =	sshrl.u32 s12, $0x2  }
0x7: {  	s10 =	sshll.u32 s12, $0x8;
	s18 =	sshll.u32 s12, $0xF;
	s23 =	sshll.u32 s12, $0xA  }
0x8: {  	_ =	strace $0x80000047;
	s5 =	sor.u32 s4, s5;
	s4 =	ssub.s32 $0x2, s4  }
0x9: {  	s8 =	smul.u32 $0x2CC00, s7;
	s0 =	sadd.s32 s0, s10;
	s21 =	sshll.u32 s7, $0x11  }
0xa: {  	s24 =	sadd.s32 s23, s13;
	s6 =	sshll.u32 s5, $0x7;
	[dreg:$0x5] =	wrdreg s0  }
0xb: {  	s9 =	sshrl.u32 s4, $0x1;
	[dreg:$0x8] =	wrdreg s24;
	p0 =	sgt.u32 s5, $0x12  }
0xc: {  	s24 =	simm.s32 $0x1;
	s11 =	sand.u32 $0x380, s6;
	s19 =	sor.u32 s18, s6  }
0xd: {  	s4 =	ssub.s32 s4, s9;
	s17 =	sor.u32 s8, s11;
	s22 =	sand.u32 $0x60380, s19  }
0xe: {  	s26 =	sor.u32 s18, s11;
	s16 =	smax.u32 s4, $0x1;
	s18 =	simm.s32 $0x400  }
0xf: {  	s19 =	simm.s32 $0x4C00;
	s8 =	sshrl.u32 s17, $0x3;
	s0 =	sadd.s32 $0xB3000, s17  }
0x10: {  	s17 =	simm.s32 $0x80;
	s20 =	sadd.s32 s1, s8;
	s0 =	sshrl.u32 s0, $0x3  }
0x11: {  	[dreg:$0x6] =	wrdreg s20;
	s0 =	sadd.s32 s1, s0;
	s1 =	sshrl.u32 s22, $0x3  }
0x12: {  	s20 =	simm.s32 $0x3;
	s22 =	simm.s32 $0x4;
	s1 =	sadd.s32 s1, s2  }
0x13: {  	[dreg:$0x7] =	wrdreg s0;
	s0 =	sor.u32 s21, s11;
	s25 =	sadd.s32 $0x10000, s1  }
0x14: {  	s0 =	sshrl.u32 s0, $0x3;
	s29 =	sadd.s32 $0x11000, s1;
	[dreg:$0x9] =	wrdreg s25  }
0x15: {  	s13 =	sadd.s32 $0x12000, s1;
	s8 =	sadd.s32 s2, s0;
	[dreg:$0xb] =	wrdreg s29  }
0x16: {  	s0 =	sshrl.u32 s26, $0x3;
	s25 =	simm.s32 $0xA580;
	s28 =	sadd.s32 $0x1000, s8  }
0x17: {  	s30 =	sadd.s32 $0x2000, s8;
	s0 =	sor.u32 $0x13000, s0;
	[dreg:$0xa] =	wrdreg s28  }
0x18: {  	s14 =	sadd.s32 $0x3000, s8;
	[dreg:$0xc] =	wrdreg s30;
	s15 =	sadd.s32 s2, s0  }
.LBB2_1:
0x19: {  	s0 =	rddreg [dreg:$0x5]  }
0x1a: {  	[tilespmem:s3], [sflag:$0x3] =	stream.linear.gather [hbm4b:s0+s3], $0x800, $0x38;
	[tilespmem:$0x18300] =	vst v63  }
0x1b: {  	s5 =	rddreg [dreg:$0x6];
	s1 =	simm.s32 @!p0 $0x400  }
0x1c: {  	[tilespmem:s19], [sflag:$0x1] =	stream.strided.gather [hbm4b:s5+s17], $0x5980, s18, s17, $0x38;
	[tilespmem:$0x18300] =	vst v63  }
0x1d: {  	s2 =	simm.s32 @!p0 $0xA580;
	s4 =	rddreg [dreg:$0x7];
	s0 =	simm.s32 @!p0 $0x80  }
0x1e: {  	[tilespmem:s2], [sflag:$0x2] =	stream.strided.gather @!p0 [hbm4b:s4+s0], $0x5980, s1, s0, $0x38;
	[tilespmem:$0x18300] =	vst v63  }
0x1f: {  	s6 =	sand.u32 $0x40, s3;
	_ =	swait.ge [sflag:s20], $0x800  }
0x20: {  	s7 =	sand.u32 $0x700, s3;
	s4 =	sor.u32 $0x30, s6;
	[sflag:s20] =	ssyncset.done $0x0  }
0x21: {  	s5 =	sor.u32 $0x10, s6;
	s9 =	sor.u32 s4, s7;
	[sflag:s20] =	ssyncadd.s32 $0xFFFFF800  }
0x22: {  	s21 =	sor.u32 s5, s7;
	v0 =	vld [tilespmem:s9+$0x0]  }
0x23: {  	s29 =	sor.u32 $0x20, s6;
	v1 =	vld [tilespmem:s21+$0x0]  }
0x24: {  	s23 =	sor.u32 s29, s7;
	v2 =	vld [tilespmem:s9+$0x80]  }
0x25: {  	s1 =	sor.u32 s6, s7;
	v3 =	vld [tilespmem:s23+$0x0]  }
0x26: {  	s30 =	simm.s32 $0x40;
	v4 =	vld [tilespmem:s1+$0x0]  }
0x27: {  	s10 =	simm.s32 $0x80;
	s26 =	sand.u32 $0x40, s30;
	v5 =	vld [tilespmem:s21+$0x80]  }
0x28: {  	s11 =	sand.u32 $0x700, s10;
	s2 =	sor.u32 $0x30, s26;
	v6 =	vld [tilespmem:s23+$0x80]  }
0x29: {  	s12 =	sand.u32 $0x380, s3;
	s0 =	sor.u32 $0x10, s26;
	s6 =	sor.u32 s2, s11;
	v8 =	vld [tilespmem:s1+$0x80];
	v7 =	vmul.u32 $0x97, v0  }
0x2a: {  	s7 =	sor.u32 $0x800, s12;
	s28 =	sor.u32 s0, s11;
	v9 =	vmul.u32 $0x97, v1;
	v0 =	vld [tilespmem:s6+$0x0]  }
0x2b: {  	s4 =	sor.u32 s4, s7;
	s5 =	sor.u32 s5, s7;
	v1 =	vld [tilespmem:s28+$0x0];
	v2 =	vadd.s32 v2, v7;
	v7 =	vmul.u32 $0x97, v3  }
0x2c: {  	s1 =	sor.u32 $0x20, s26;
	s23 =	simm.s32 $0x4;
	s26 =	sor.u32 s26, s11;
	v10 =	vmul.u32 $0x97, v4;
	v4 =	vadd.s32 v5, v9;
	[tilespmem:s4+$0x0] =	vst v2;
	v2 =	vld [tilespmem:s6+$0x80]  }
0x2d: {  	s21 =	sor.u32 s29, s7;
	s29 =	simm.s32 $0x100;
	s4 =	sor.u32 s1, s11;
	[tilespmem:s5+$0x0] =	vst v4;
	v4 =	vld [tilespmem:s26+$0x0];
	v6 =	vadd.s32 v6, v7  }
0x2e: {  	v5 =	vadd.s32 v8, v10;
	s5 =	sand.u32 $0x380, s30;
	s30 =	simm.s32 $0x80;
	v3 =	vld [tilespmem:s4+$0x0];
	[tilespmem:s21+$0x0] =	vst v6;
	s21 =	simm.s32 $0x800  }
.LBB2_2:
0x2f: {  	s6 =	sand.u32 $0x40, s30  }
0x30: {  	s7 =	sand.u32 $0x700, s29;
	s23 =	sadd.s32 $0x4, s23;
	v6 =	vld [tilespmem:s28+$0x80];
	v0 =	vmul.u32 $0x97, v0;
	[tilespmem:s21+$0x0] =	vst v5;
	s5 =	sor.u32 $0x800, s5  }
0x31: {  	s9 =	sor.u32 $0x30, s6;
	p1 =	slt.u32 s23, $0x3C;
	v5 =	vmul.u32 $0x97, v1;
	v7 =	vld [tilespmem:s4+$0x80];
	s10 =	sor.u32 $0x10, s6  }
0x32: {  	s2 =	sor.u32 s2, s5;
	s11 =	sor.u32 s9, s7;
	v8 =	vld [tilespmem:s26+$0x80];
	v1 =	vadd.s32 v2, v0;
	s26 =	sor.u32 s6, s7  }
.Ltmp0:
0x33: {  	s28 =	sor.u32 s10, s7;
	s6 =	sor.u32 $0x20, s6;
	v0 =	vld [tilespmem:s11+$0x0];
	v9 =	vmul.u32 $0x97, v3;
	[tilespmem:s2+$0x0] =	vst v1;
	(pc) =	sbr.rel @p1 .LBB2_2-.Ltmp0, $4  }
0x34: {  	s12 =	sor.u32 s1, s5;
	s4 =	sor.u32 s6, s7;
	s7 =	sor.u32 s0, s5;
	v1 =	vld [tilespmem:s28+$0x0];
	v10 =	vmul.u32 $0x97, v4  }
0x35: {  	s2 =	smov.u32 s9;
	s0 =	smov.u32 s10;
	s1 =	smov.u32 s6;
	v2 =	vld [tilespmem:s11+$0x80];
	v4 =	vadd.s32 v6, v5  }
0x36: {  	s21 =	sadd.s32 $0x40, s21;
	v3 =	vld [tilespmem:s4+$0x0];
	[tilespmem:s7+$0x0] =	vst v4;
	v6 =	vadd.s32 v7, v9  }
0x37: {  	s29 =	sadd.s32 $0x80, s29;
	s5 =	sand.u32 $0x380, s30;
	s30 =	sadd.s32 $0x40, s30;
	v4 =	vld [tilespmem:s26+$0x0];
	v5 =	vadd.s32 v8, v10;
	[tilespmem:s12+$0x0] =	vst v6  }
0x38: {  	v6 =	vld [tilespmem:s28+$0x80]  }
0x39: {  	v7 =	vld [tilespmem:s4+$0x80]  }
0x3a: {  	v0 =	vmul.u32 $0x97, v0;
	v8 =	vld [tilespmem:s26+$0x80]  }
0x3b: {  	s10 =	sor.u32 $0x800, s5;
	v1 =	vmul.u32 $0x97, v1  }
0x3c: {  	[tilespmem:s21+$0x0] =	vst v5;
	s2 =	sor.u32 s2, s10;
	v0 =	vadd.s32 v2, v0;
	v2 =	vmul.u32 $0x97, v3  }
0x3d: {  	s0 =	sor.u32 s0, s10;
	[tilespmem:s2+$0x0] =	vst v0;
	v0 =	vmul.u32 $0x97, v4;
	v1 =	vadd.s32 v6, v1  }
0x3e: {  	s1 =	sor.u32 s1, s10;
	[tilespmem:s0+$0x0] =	vst v1;
	v1 =	vadd.s32 v7, v2  }
0x3f: {  	s11 =	sadd.s32 $0x40, s21;
	v0 =	vadd.s32 v8, v0;
	[tilespmem:s1+$0x0] =	vst v1  }
0x40: {  	[tilespmem:s11+$0x0] =	vst v0  }
0x41: {  	s12 =	simm.s32 $0x800;
	s0 =	rddreg [dreg:$0x8]  }
0x42: {  	[spmem:s0] =	stream.linear.scatter [tilespmem:s12], [sflag:$0x4], $0x400, $0x38;
	[tilespmem:$0x18300] =	vst v63  }
0x43: {  	_ =	swait.ge [sflag:s22], $0x400  }
0x44: {  	[sflag:s22] =	ssyncset.done $0x0  }
0x45: {  	[sflag:s22] =	ssyncadd.s32 $0xFFFFFC00  }
0x46: {  	[bflag:$0x0] =	sbarrier.arrive $0xFFFF  }
0x47: {  	s23 =	simm.s32 $0xC00;
	s21 =	rddreg [dreg:$0x3]  }
0x48: {  	[tilespmem:s23], [sflag:$0x4] =	stream.linear.gather [spmem:s21], $0x4000, $0x38;
	[tilespmem:$0x18300] =	vst v63  }
0x49: {  	_ =	swait.ge [sflag:s22], $0x4000  }
0x4a: {  	[sflag:s22] =	ssyncset.done $0x0  }
0x4b: {  	[sflag:s22] =	ssyncadd.s32 $0xFFFFC000  }
0x4c: {  	_ =	swait.ge [sflag:s24], $0x5980  }
0x4d: {  	[sflag:s24] =	ssyncset.done $0x0  }
0x4e: {  	s0 =	simm.s32 @!p0 $0x2;
	[sflag:s24] =	ssyncadd.s32 $0xFFFFA680  }
0x4f: {  	_ =	swait.ge @!p0 [sflag:s0], $0x5980  }
0x50: {  	[sflag:s0] =	ssyncset.done @!p0 $0x0  }
0x51: {  	s26 =	simm.s32 $0xC20;
	[sflag:s0] =	ssyncadd.s32 @!p0 $0xFFFFA680  }
0x52: {  	v1 =	vld [tilespmem:s26+$0xFFFFFFF0]  }
0x53: {  	v2 =	vld [tilespmem:s26+$0x0]  }
0x54: {  	v0 =	vld [tilespmem:s26+$0x10]  }
0x55: {  	s28 =	simm.s32 $0xC60;
	v5 =	vld [tilespmem:s26+$0xFFFFFFE0]  }
0x56: {  	v7 =	vld [tilespmem:s28+$0xFFFFFFF0]  }
0x57: {  	v6 =	vld [tilespmem:s28+$0x10]  }
0x58: {  	v10 =	vld [tilespmem:s28+$0x0];
	_ =	sdelay $0x1  }
0x59: {  	v4 =	vld.idx.msk [tilespmem:v1+s19+$0x0], $0xffff  }
0x5a: {  	v8 =	vld.idx.msk [tilespmem:v2+s19+$0x0], $0xffff  }
0x5b: {  	v3 =	vld.idx.msk [tilespmem:v0+s19+$0x0], $0xffff  }
0x5c: {  	v11 =	vld.idx.msk [tilespmem:v5+s19+$0x0], $0xffff  }
0x5d: {  	s29 =	simm.s32 $0xFF20;
	v13 =	vld.idx.msk [tilespmem:v7+s19+$0x0], $0xffff  }
0x5e: {  	[tilespmem:s29+$0xFFFFFFF0] =	vst v4;
	v4 =	vld.idx.msk [tilespmem:v6+s19+$0x0], $0xffff  }
0x5f: {  	s30 =	simm.s32 $0xCA0;
	[tilespmem:s29+$0x0] =	vst v8;
	v8 =	vld.idx.msk [tilespmem:v10+s19+$0x0], $0xffff  }
0x60: {  	[tilespmem:s29+$0x10] =	vst v3;
	v3 =	vld [tilespmem:s30+$0x10]  }
0x61: {  	v9 =	vld.idx.msk [tilespmem:v0+s25+$0x0], $0xffff  }
0x62: {  	v0 =	vld [tilespmem:s28+$0xFFFFFFE0]  }
0x63: {  	v12 =	vld.idx.msk [tilespmem:v1+s25+$0x0], $0xffff  }
0x64: {  	v14 =	vld.idx.msk [tilespmem:v2+s25+$0x0], $0xffff  }
0x65: {  	v1 =	vld [tilespmem:s30+$0xFFFFFFF0]  }
0x66: {  	s0 =	simm.s32 $0xFF60;
	v2 =	vld [tilespmem:s30+$0x0]  }
0x67: {  	[tilespmem:s0+$0x10] =	vst v4;
	v4 =	vld [tilespmem:s30+$0xFFFFFFE0]  }
0x68: {  	s2 =	simm.s32 $0x13F20;
	[tilespmem:s29+$0xFFFFFFE0] =	vst v11;
	v15 =	vld.idx.msk [tilespmem:v6+s25+$0x0], $0xffff  }
0x69: {  	[tilespmem:s2+$0x10] =	vst v9;
	v9 =	vld.idx.msk [tilespmem:v5+s25+$0x0], $0xffff  }
0x6a: {  	[tilespmem:s0+$0xFFFFFFF0] =	vst v13;
	v11 =	vld.idx.msk [tilespmem:v0+s19+$0x0], $0xffff  }
0x6b: {  	[tilespmem:s0+$0x0] =	vst v8;
	v5 =	vld.idx.msk [tilespmem:v7+s25+$0x0], $0xffff  }
0x6c: {  	[tilespmem:s2+$0xFFFFFFF0] =	vst v12;
	v10 =	vld.idx.msk [tilespmem:v10+s25+$0x0], $0xffff  }
0x6d: {  	s1 =	simm.s32 $0x13F60;
	[tilespmem:s2+$0x0] =	vst v14;
	v6 =	vld.idx.msk [tilespmem:v3+s19+$0x0], $0xffff  }
0x6e: {  	v7 =	vld.idx.msk [tilespmem:v1+s19+$0x0], $0xffff;
	[tilespmem:s1+$0x10] =	vst v15  }
0x6f: {  	s4 =	simm.s32 $0x8;
	s21 =	simm.s32 $0xCE0;
	v8 =	vld.idx.msk [tilespmem:v2+s19+$0x0], $0xffff;
	[tilespmem:s0+$0xFFFFFFE0] =	vst v11  }
.LBB2_4:
0x70: {  	v11 =	vld [tilespmem:s21+$0x10];
	s4 =	sadd.s32 $0x4, s4;
	[tilespmem:s2+$0xFFFFFFE0] =	vst v9;
	s2 =	smov.u32 s1  }
0x71: {  	s0 =	sadd.s32 $0x40, s0;
	v12 =	vld [tilespmem:s21+$0xFFFFFFF0];
	p1 =	slt.u32 s4, $0xFC;
	[tilespmem:s1+$0xFFFFFFF0] =	vst v5  }
0x72: {  	v13 =	vld [tilespmem:s21+$0x0];
	[tilespmem:s0+$0x10] =	vst v6  }
0x73: {  	[tilespmem:s0+$0xFFFFFFF0] =	vst v7;
	v14 =	vld.idx.msk [tilespmem:v3+s25+$0x0], $0xffff  }
0x74: {  	v15 =	vld [tilespmem:s21+$0xFFFFFFE0];
	[tilespmem:s0+$0x0] =	vst v8  }
0x75: {  	v16 =	vld.idx.msk [tilespmem:v4+s19+$0x0], $0xffff;
	[tilespmem:s1+$0x0] =	vst v10;
	v3 =	vmov v11  }
0x76: {  	v9 =	vld.idx.msk [tilespmem:v0+s25+$0x0], $0xffff;
	v0 =	vmov v4  }
.Ltmp1:
0x77: {  	v5 =	vld.idx.msk [tilespmem:v1+s25+$0x0], $0xffff;
	v1 =	vmov v12;
	(pc) =	sbr.rel @p1 .LBB2_4-.Ltmp1, $4  }
0x78: {  	s1 =	sadd.s32 $0x40, s1;
	v6 =	vld.idx.msk [tilespmem:v11+s19+$0x0], $0xffff  }
0x79: {  	v7 =	vld.idx.msk [tilespmem:v12+s19+$0x0], $0xffff;
	[tilespmem:s1+$0x10] =	vst v14;
	v4 =	vmov v15  }
0x7a: {  	v8 =	vld.idx.msk [tilespmem:v13+s19+$0x0], $0xffff  }
0x7b: {  	s21 =	sadd.s32 $0x40, s21;
	[tilespmem:s0+$0xFFFFFFE0] =	vst v16;
	v10 =	vld.idx.msk [tilespmem:v2+s25+$0x0], $0xffff;
	v2 =	vmov v13  }
0x7c: {  	_ =	sdelay $0x3  }
0x7d: {  	[tilespmem:s2+$0xFFFFFFE0] =	vst v9;
	v9 =	vld.idx.msk [tilespmem:v4+s19+$0x0], $0xffff  }
0x7e: {  	s0 =	sadd.s32 $0x40, s0;
	[tilespmem:s1+$0xFFFFFFF0] =	vst v5  }
0x7f: {  	v0 =	vld.idx.msk [tilespmem:v0+s25+$0x0], $0xffff;
	[tilespmem:s0+$0x10] =	vst v6  }
0x80: {  	v3 =	vld.idx.msk [tilespmem:v3+s25+$0x0], $0xffff;
	[tilespmem:s0+$0xFFFFFFF0] =	vst v7  }
0x81: {  	[tilespmem:s0+$0x0] =	vst v8;
	v1 =	vld.idx.msk [tilespmem:v1+s25+$0x0], $0xffff  }
0x82: {  	v2 =	vld.idx.msk [tilespmem:v2+s25+$0x0], $0xffff;
	[tilespmem:s0+$0xFFFFFFE0] =	vst v9  }
0x83: {  	[tilespmem:s1+$0x0] =	vst v10;
	v4 =	vld.idx.msk [tilespmem:v4+s25+$0x0], $0xffff  }
0x84: {  	s21 =	sadd.s32 $0x40, s1;
	[tilespmem:s1+$0xFFFFFFE0] =	vst v0  }
0x85: {  	[tilespmem:s21+$0x10] =	vst v3  }
0x86: {  	[tilespmem:s21+$0xFFFFFFF0] =	vst v1  }
0x87: {  	[tilespmem:s21+$0x0] =	vst v2  }
0x88: {  	s23 =	simm.s32 $0xFF00;
	s2 =	simm.s32 @!p0 $0x13F00;
	s26 =	simm.s32 $0x1C30;
	[tilespmem:s21+$0xFFFFFFE0] =	vst v4  }
0x89: {  	[hbm4b:s8+s17] =	stream.strided.scatter [tilespmem:s23], [sflag:$0x1], $0x1000, s18, s17, $0x38;
	[tilespmem:$0x18300] =	vst v63  }
0x8a: {  	s0 =	simm.s32 @!p0 $0x80;
	s1 =	simm.s32 @!p0 $0x400;
	s4 =	rddreg [dreg:$0x9]  }
0x8b: {  	[hbm4b:s4+s0] =	stream.strided.scatter @!p0 [tilespmem:s2], [sflag:$0x2], $0x1000, s1, s0, $0x38;
	[tilespmem:$0x18300] =	vst v63  }
0x8c: {  	v1 =	vld [tilespmem:s26+$0xFFFFFFE0]  }
0x8d: {  	v2 =	vld [tilespmem:s26+$0xFFFFFFF0]  }
0x8e: {  	v0 =	vld [tilespmem:s26+$0x0]  }
0x8f: {  	s28 =	simm.s32 $0x1C70;
	v5 =	vld [tilespmem:s26+$0xFFFFFFD0]  }
0x90: {  	v7 =	vld [tilespmem:s28+$0xFFFFFFE0]  }
0x91: {  	v6 =	vld [tilespmem:s28+$0x0]  }
0x92: {  	v10 =	vld [tilespmem:s28+$0xFFFFFFF0];
	_ =	sdelay $0x1  }
0x93: {  	v4 =	vld.idx.msk [tilespmem:v1+s19+$0x0], $0xffff  }
0x94: {  	v8 =	vld.idx.msk [tilespmem:v2+s19+$0x0], $0xffff  }
0x95: {  	v3 =	vld.idx.msk [tilespmem:v0+s19+$0x0], $0xffff  }
0x96: {  	v11 =	vld.idx.msk [tilespmem:v5+s19+$0x0], $0xffff  }
0x97: {  	s29 =	simm.s32 $0x10F30;
	v13 =	vld.idx.msk [tilespmem:v7+s19+$0x0], $0xffff  }
0x98: {  	[tilespmem:s29+$0xFFFFFFE0] =	vst v4;
	v4 =	vld.idx.msk [tilespmem:v6+s19+$0x0], $0xffff  }
0x99: {  	s30 =	simm.s32 $0x1CB0;
	[tilespmem:s29+$0xFFFFFFF0] =	vst v8;
	v8 =	vld.idx.msk [tilespmem:v10+s19+$0x0], $0xffff  }
0x9a: {  	[tilespmem:s29+$0x0] =	vst v3;
	v3 =	vld [tilespmem:s30+$0x0]  }
0x9b: {  	v9 =	vld.idx.msk [tilespmem:v0+s25+$0x0], $0xffff  }
0x9c: {  	v0 =	vld [tilespmem:s28+$0xFFFFFFD0]  }
0x9d: {  	v12 =	vld.idx.msk [tilespmem:v1+s25+$0x0], $0xffff  }
0x9e: {  	v14 =	vld.idx.msk [tilespmem:v2+s25+$0x0], $0xffff  }
0x9f: {  	v1 =	vld [tilespmem:s30+$0xFFFFFFE0]  }
0xa0: {  	s0 =	simm.s32 $0x10F70;
	v2 =	vld [tilespmem:s30+$0xFFFFFFF0]  }
0xa1: {  	[tilespmem:s0+$0x0] =	vst v4;
	v4 =	vld [tilespmem:s30+$0xFFFFFFD0]  }
0xa2: {  	s2 =	simm.s32 $0x14F30;
	[tilespmem:s29+$0xFFFFFFD0] =	vst v11;
	v15 =	vld.idx.msk [tilespmem:v6+s25+$0x0], $0xffff  }
0xa3: {  	[tilespmem:s2+$0x0] =	vst v9;
	v9 =	vld.idx.msk [tilespmem:v5+s25+$0x0], $0xffff  }
0xa4: {  	[tilespmem:s0+$0xFFFFFFE0] =	vst v13;
	v11 =	vld.idx.msk [tilespmem:v0+s19+$0x0], $0xffff  }
0xa5: {  	[tilespmem:s0+$0xFFFFFFF0] =	vst v8;
	v5 =	vld.idx.msk [tilespmem:v7+s25+$0x0], $0xffff  }
0xa6: {  	[tilespmem:s2+$0xFFFFFFE0] =	vst v12;
	v10 =	vld.idx.msk [tilespmem:v10+s25+$0x0], $0xffff  }
0xa7: {  	s1 =	simm.s32 $0x14F70;
	[tilespmem:s2+$0xFFFFFFF0] =	vst v14;
	v6 =	vld.idx.msk [tilespmem:v3+s19+$0x0], $0xffff  }
0xa8: {  	v7 =	vld.idx.msk [tilespmem:v1+s19+$0x0], $0xffff;
	[tilespmem:s1+$0x0] =	vst v15  }
0xa9: {  	s21 =	simm.s32 $0x1CF0;
	s4 =	simm.s32 $0x108;
	v8 =	vld.idx.msk [tilespmem:v2+s19+$0x0], $0xffff;
	[tilespmem:s0+$0xFFFFFFD0] =	vst v11  }
.LBB2_6:
0xaa: {  	v11 =	vld [tilespmem:s21+$0x0];
	s4 =	sadd.s32 $0x4, s4;
	[tilespmem:s2+$0xFFFFFFD0] =	vst v9;
	s2 =	smov.u32 s1  }
0xab: {  	s0 =	sadd.s32 $0x40, s0;
	v12 =	vld [tilespmem:s21+$0xFFFFFFE0];
	p1 =	slt.u32 s4, $0x1FC;
	[tilespmem:s1+$0xFFFFFFE0] =	vst v5  }
0xac: {  	v13 =	vld [tilespmem:s21+$0xFFFFFFF0];
	[tilespmem:s0+$0x0] =	vst v6  }
0xad: {  	[tilespmem:s0+$0xFFFFFFE0] =	vst v7;
	v14 =	vld.idx.msk [tilespmem:v3+s25+$0x0], $0xffff  }
0xae: {  	v15 =	vld [tilespmem:s21+$0xFFFFFFD0];
	[tilespmem:s0+$0xFFFFFFF0] =	vst v8  }
0xaf: {  	v16 =	vld.idx.msk [tilespmem:v4+s19+$0x0], $0xffff;
	[tilespmem:s1+$0xFFFFFFF0] =	vst v10;
	v3 =	vmov v11  }
0xb0: {  	v9 =	vld.idx.msk [tilespmem:v0+s25+$0x0], $0xffff;
	v0 =	vmov v4  }
.Ltmp2:
0xb1: {  	v5 =	vld.idx.msk [tilespmem:v1+s25+$0x0], $0xffff;
	v1 =	vmov v12;
	(pc) =	sbr.rel @p1 .LBB2_6-.Ltmp2, $4  }
0xb2: {  	s1 =	sadd.s32 $0x40, s1;
	v6 =	vld.idx.msk [tilespmem:v11+s19+$0x0], $0xffff  }
0xb3: {  	v7 =	vld.idx.msk [tilespmem:v12+s19+$0x0], $0xffff;
	[tilespmem:s1+$0x0] =	vst v14;
	v4 =	vmov v15  }
0xb4: {  	v8 =	vld.idx.msk [tilespmem:v13+s19+$0x0], $0xffff  }
0xb5: {  	s21 =	sadd.s32 $0x40, s21;
	[tilespmem:s0+$0xFFFFFFD0] =	vst v16;
	v10 =	vld.idx.msk [tilespmem:v2+s25+$0x0], $0xffff;
	v2 =	vmov v13  }
0xb6: {  	_ =	sdelay $0x3  }
0xb7: {  	[tilespmem:s2+$0xFFFFFFD0] =	vst v9;
	v9 =	vld.idx.msk [tilespmem:v4+s19+$0x0], $0xffff  }
0xb8: {  	s0 =	sadd.s32 $0x40, s0;
	[tilespmem:s1+$0xFFFFFFE0] =	vst v5  }
0xb9: {  	v0 =	vld.idx.msk [tilespmem:v0+s25+$0x0], $0xffff;
	[tilespmem:s0+$0x0] =	vst v6  }
0xba: {  	v3 =	vld.idx.msk [tilespmem:v3+s25+$0x0], $0xffff;
	[tilespmem:s0+$0xFFFFFFE0] =	vst v7  }
0xbb: {  	[tilespmem:s0+$0xFFFFFFF0] =	vst v8;
	v1 =	vld.idx.msk [tilespmem:v1+s25+$0x0], $0xffff  }
0xbc: {  	v2 =	vld.idx.msk [tilespmem:v2+s25+$0x0], $0xffff;
	[tilespmem:s0+$0xFFFFFFD0] =	vst v9  }
0xbd: {  	[tilespmem:s1+$0xFFFFFFF0] =	vst v10;
	v4 =	vld.idx.msk [tilespmem:v4+s25+$0x0], $0xffff  }
0xbe: {  	s21 =	sadd.s32 $0x40, s1;
	[tilespmem:s1+$0xFFFFFFD0] =	vst v0  }
0xbf: {  	[tilespmem:s21+$0x0] =	vst v3  }
0xc0: {  	[tilespmem:s21+$0xFFFFFFE0] =	vst v1  }
0xc1: {  	[tilespmem:s21+$0xFFFFFFF0] =	vst v2  }
0xc2: {  	s23 =	simm.s32 $0x10F00;
	[tilespmem:s21+$0xFFFFFFD0] =	vst v4  }
0xc3: {  	s2 =	simm.s32 @!p0 $0x14F00;
	s26 =	simm.s32 $0x2C30;
	s0 =	rddreg [dreg:$0xa]  }
0xc4: {  	[hbm4b:s0+s17] =	stream.strided.scatter [tilespmem:s23], [sflag:$0x1], $0x1000, s18, s17, $0x38;
	[tilespmem:$0x18300] =	vst v63  }
0xc5: {  	s1 =	simm.s32 @!p0 $0x400;
	s4 =	rddreg [dreg:$0xb];
	s0 =	simm.s32 @!p0 $0x80  }
0xc6: {  	[hbm4b:s4+s0] =	stream.strided.scatter @!p0 [tilespmem:s2], [sflag:$0x2], $0x1000, s1, s0, $0x38;
	[tilespmem:$0x18300] =	vst v63  }
0xc7: {  	v1 =	vld [tilespmem:s26+$0xFFFFFFE0]  }
0xc8: {  	v2 =	vld [tilespmem:s26+$0xFFFFFFF0]  }
0xc9: {  	v0 =	vld [tilespmem:s26+$0x0]  }
0xca: {  	s28 =	simm.s32 $0x2C70;
	v5 =	vld [tilespmem:s26+$0xFFFFFFD0]  }
0xcb: {  	v7 =	vld [tilespmem:s28+$0xFFFFFFE0]  }
0xcc: {  	v6 =	vld [tilespmem:s28+$0x0]  }
0xcd: {  	v10 =	vld [tilespmem:s28+$0xFFFFFFF0];
	_ =	sdelay $0x1  }
0xce: {  	v4 =	vld.idx.msk [tilespmem:v1+s19+$0x0], $0xffff  }
0xcf: {  	v8 =	vld.idx.msk [tilespmem:v2+s19+$0x0], $0xffff  }
0xd0: {  	v3 =	vld.idx.msk [tilespmem:v0+s19+$0x0], $0xffff  }
0xd1: {  	v11 =	vld.idx.msk [tilespmem:v5+s19+$0x0], $0xffff  }
0xd2: {  	s29 =	simm.s32 $0x11F30;
	v13 =	vld.idx.msk [tilespmem:v7+s19+$0x0], $0xffff  }
0xd3: {  	[tilespmem:s29+$0xFFFFFFE0] =	vst v4;
	v4 =	vld.idx.msk [tilespmem:v6+s19+$0x0], $0xffff  }
0xd4: {  	s30 =	simm.s32 $0x2CB0;
	[tilespmem:s29+$0xFFFFFFF0] =	vst v8;
	v8 =	vld.idx.msk [tilespmem:v10+s19+$0x0], $0xffff  }
0xd5: {  	[tilespmem:s29+$0x0] =	vst v3;
	v3 =	vld [tilespmem:s30+$0x0]  }
0xd6: {  	v9 =	vld.idx.msk [tilespmem:v0+s25+$0x0], $0xffff  }
0xd7: {  	v0 =	vld [tilespmem:s28+$0xFFFFFFD0]  }
0xd8: {  	v12 =	vld.idx.msk [tilespmem:v1+s25+$0x0], $0xffff  }
0xd9: {  	v14 =	vld.idx.msk [tilespmem:v2+s25+$0x0], $0xffff  }
0xda: {  	v1 =	vld [tilespmem:s30+$0xFFFFFFE0]  }
0xdb: {  	s0 =	simm.s32 $0x11F70;
	v2 =	vld [tilespmem:s30+$0xFFFFFFF0]  }
0xdc: {  	[tilespmem:s0+$0x0] =	vst v4;
	v4 =	vld [tilespmem:s30+$0xFFFFFFD0]  }
0xdd: {  	s2 =	simm.s32 $0x15F30;
	[tilespmem:s29+$0xFFFFFFD0] =	vst v11;
	v15 =	vld.idx.msk [tilespmem:v6+s25+$0x0], $0xffff  }
0xde: {  	[tilespmem:s2+$0x0] =	vst v9;
	v9 =	vld.idx.msk [tilespmem:v5+s25+$0x0], $0xffff  }
0xdf: {  	[tilespmem:s0+$0xFFFFFFE0] =	vst v13;
	v11 =	vld.idx.msk [tilespmem:v0+s19+$0x0], $0xffff  }
0xe0: {  	[tilespmem:s0+$0xFFFFFFF0] =	vst v8;
	v5 =	vld.idx.msk [tilespmem:v7+s25+$0x0], $0xffff  }
0xe1: {  	[tilespmem:s2+$0xFFFFFFE0] =	vst v12;
	v10 =	vld.idx.msk [tilespmem:v10+s25+$0x0], $0xffff  }
0xe2: {  	s1 =	simm.s32 $0x15F70;
	[tilespmem:s2+$0xFFFFFFF0] =	vst v14;
	v6 =	vld.idx.msk [tilespmem:v3+s19+$0x0], $0xffff  }
0xe3: {  	v7 =	vld.idx.msk [tilespmem:v1+s19+$0x0], $0xffff;
	[tilespmem:s1+$0x0] =	vst v15  }
0xe4: {  	s21 =	simm.s32 $0x2CF0;
	s4 =	simm.s32 $0x208;
	v8 =	vld.idx.msk [tilespmem:v2+s19+$0x0], $0xffff;
	[tilespmem:s0+$0xFFFFFFD0] =	vst v11  }
.LBB2_8:
0xe5: {  	v11 =	vld [tilespmem:s21+$0x0];
	s4 =	sadd.s32 $0x4, s4;
	[tilespmem:s2+$0xFFFFFFD0] =	vst v9;
	s2 =	smov.u32 s1  }
0xe6: {  	s0 =	sadd.s32 $0x40, s0;
	v12 =	vld [tilespmem:s21+$0xFFFFFFE0];
	p1 =	slt.u32 s4, $0x2FC;
	[tilespmem:s1+$0xFFFFFFE0] =	vst v5  }
0xe7: {  	v13 =	vld [tilespmem:s21+$0xFFFFFFF0];
	[tilespmem:s0+$0x0] =	vst v6  }
0xe8: {  	[tilespmem:s0+$0xFFFFFFE0] =	vst v7;
	v14 =	vld.idx.msk [tilespmem:v3+s25+$0x0], $0xffff  }
0xe9: {  	v15 =	vld [tilespmem:s21+$0xFFFFFFD0];
	[tilespmem:s0+$0xFFFFFFF0] =	vst v8  }
0xea: {  	v16 =	vld.idx.msk [tilespmem:v4+s19+$0x0], $0xffff;
	[tilespmem:s1+$0xFFFFFFF0] =	vst v10;
	v3 =	vmov v11  }
0xeb: {  	v9 =	vld.idx.msk [tilespmem:v0+s25+$0x0], $0xffff;
	v0 =	vmov v4  }
.Ltmp3:
0xec: {  	v5 =	vld.idx.msk [tilespmem:v1+s25+$0x0], $0xffff;
	v1 =	vmov v12;
	(pc) =	sbr.rel @p1 .LBB2_8-.Ltmp3, $4  }
0xed: {  	s1 =	sadd.s32 $0x40, s1;
	v6 =	vld.idx.msk [tilespmem:v11+s19+$0x0], $0xffff  }
0xee: {  	v7 =	vld.idx.msk [tilespmem:v12+s19+$0x0], $0xffff;
	[tilespmem:s1+$0x0] =	vst v14;
	v4 =	vmov v15  }
0xef: {  	v8 =	vld.idx.msk [tilespmem:v13+s19+$0x0], $0xffff  }
0xf0: {  	s21 =	sadd.s32 $0x40, s21;
	[tilespmem:s0+$0xFFFFFFD0] =	vst v16;
	v10 =	vld.idx.msk [tilespmem:v2+s25+$0x0], $0xffff;
	v2 =	vmov v13  }
0xf1: {  	_ =	sdelay $0x3  }
0xf2: {  	[tilespmem:s2+$0xFFFFFFD0] =	vst v9;
	v9 =	vld.idx.msk [tilespmem:v4+s19+$0x0], $0xffff  }
0xf3: {  	s0 =	sadd.s32 $0x40, s0;
	[tilespmem:s1+$0xFFFFFFE0] =	vst v5  }
0xf4: {  	v0 =	vld.idx.msk [tilespmem:v0+s25+$0x0], $0xffff;
	[tilespmem:s0+$0x0] =	vst v6  }
0xf5: {  	v3 =	vld.idx.msk [tilespmem:v3+s25+$0x0], $0xffff;
	[tilespmem:s0+$0xFFFFFFE0] =	vst v7  }
0xf6: {  	[tilespmem:s0+$0xFFFFFFF0] =	vst v8;
	v1 =	vld.idx.msk [tilespmem:v1+s25+$0x0], $0xffff  }
0xf7: {  	v2 =	vld.idx.msk [tilespmem:v2+s25+$0x0], $0xffff;
	[tilespmem:s0+$0xFFFFFFD0] =	vst v9  }
0xf8: {  	[tilespmem:s1+$0xFFFFFFF0] =	vst v10;
	v4 =	vld.idx.msk [tilespmem:v4+s25+$0x0], $0xffff  }
0xf9: {  	s23 =	sadd.s32 $0x40, s1;
	[tilespmem:s1+$0xFFFFFFD0] =	vst v0  }
0xfa: {  	[tilespmem:s23+$0x0] =	vst v3  }
0xfb: {  	[tilespmem:s23+$0xFFFFFFE0] =	vst v1  }
0xfc: {  	[tilespmem:s23+$0xFFFFFFF0] =	vst v2  }
0xfd: {  	[tilespmem:s23+$0xFFFFFFD0] =	vst v4  }
0xfe: {  	s26 =	simm.s32 $0x11F00;
	s2 =	simm.s32 @!p0 $0x15F00;
	s0 =	rddreg [dreg:$0xc]  }
0xff: {  	[hbm4b:s0+s17] =	stream.strided.scatter [tilespmem:s26], [sflag:$0x1], $0x1000, s18, s17, $0x38;
	[tilespmem:$0x18300] =	vst v63  }
0x100: {  	s28 =	simm.s32 $0x3C30;
	s1 =	simm.s32 @!p0 $0x400;
	s0 =	simm.s32 @!p0 $0x80  }
0x101: {  	[hbm4b:s13+s0] =	stream.strided.scatter @!p0 [tilespmem:s2], [sflag:$0x2], $0x1000, s1, s0, $0x38;
	[tilespmem:$0x18300] =	vst v63  }
0x102: {  	v1 =	vld [tilespmem:s28+$0xFFFFFFE0]  }
0x103: {  	v2 =	vld [tilespmem:s28+$0xFFFFFFF0]  }
0x104: {  	v0 =	vld [tilespmem:s28+$0x0]  }
0x105: {  	s29 =	simm.s32 $0x3C70;
	v5 =	vld [tilespmem:s28+$0xFFFFFFD0]  }
0x106: {  	v7 =	vld [tilespmem:s29+$0xFFFFFFE0]  }
0x107: {  	v6 =	vld [tilespmem:s29+$0x0]  }
0x108: {  	v10 =	vld [tilespmem:s29+$0xFFFFFFF0];
	_ =	sdelay $0x1  }
0x109: {  	v4 =	vld.idx.msk [tilespmem:v1+s19+$0x0], $0xffff  }
0x10a: {  	v8 =	vld.idx.msk [tilespmem:v2+s19+$0x0], $0xffff  }
0x10b: {  	v3 =	vld.idx.msk [tilespmem:v0+s19+$0x0], $0xffff  }
0x10c: {  	v11 =	vld.idx.msk [tilespmem:v5+s19+$0x0], $0xffff  }
0x10d: {  	s30 =	simm.s32 $0x12F30;
	v13 =	vld.idx.msk [tilespmem:v7+s19+$0x0], $0xffff  }
0x10e: {  	[tilespmem:s30+$0xFFFFFFE0] =	vst v4;
	v4 =	vld.idx.msk [tilespmem:v6+s19+$0x0], $0xffff  }
0x10f: {  	s4 =	simm.s32 $0x3CB0;
	[tilespmem:s30+$0xFFFFFFF0] =	vst v8;
	v8 =	vld.idx.msk [tilespmem:v10+s19+$0x0], $0xffff  }
0x110: {  	[tilespmem:s30+$0x0] =	vst v3;
	v3 =	vld [tilespmem:s4+$0x0]  }
0x111: {  	v9 =	vld.idx.msk [tilespmem:v0+s25+$0x0], $0xffff  }
0x112: {  	v0 =	vld [tilespmem:s29+$0xFFFFFFD0]  }
0x113: {  	v12 =	vld.idx.msk [tilespmem:v1+s25+$0x0], $0xffff  }
0x114: {  	v14 =	vld.idx.msk [tilespmem:v2+s25+$0x0], $0xffff  }
0x115: {  	v1 =	vld [tilespmem:s4+$0xFFFFFFE0]  }
0x116: {  	s0 =	simm.s32 $0x12F70;
	v2 =	vld [tilespmem:s4+$0xFFFFFFF0]  }
0x117: {  	[tilespmem:s0+$0x0] =	vst v4;
	v4 =	vld [tilespmem:s4+$0xFFFFFFD0]  }
0x118: {  	s2 =	simm.s32 $0x16F30;
	[tilespmem:s30+$0xFFFFFFD0] =	vst v11;
	v15 =	vld.idx.msk [tilespmem:v6+s25+$0x0], $0xffff  }
0x119: {  	[tilespmem:s2+$0x0] =	vst v9;
	v9 =	vld.idx.msk [tilespmem:v5+s25+$0x0], $0xffff  }
0x11a: {  	[tilespmem:s0+$0xFFFFFFE0] =	vst v13;
	v11 =	vld.idx.msk [tilespmem:v0+s19+$0x0], $0xffff  }
0x11b: {  	[tilespmem:s0+$0xFFFFFFF0] =	vst v8;
	v5 =	vld.idx.msk [tilespmem:v7+s25+$0x0], $0xffff  }
0x11c: {  	[tilespmem:s2+$0xFFFFFFE0] =	vst v12;
	v10 =	vld.idx.msk [tilespmem:v10+s25+$0x0], $0xffff  }
0x11d: {  	s1 =	simm.s32 $0x16F70;
	[tilespmem:s2+$0xFFFFFFF0] =	vst v14;
	v6 =	vld.idx.msk [tilespmem:v3+s19+$0x0], $0xffff  }
0x11e: {  	v7 =	vld.idx.msk [tilespmem:v1+s19+$0x0], $0xffff;
	[tilespmem:s1+$0x0] =	vst v15  }
0x11f: {  	s21 =	simm.s32 $0x3CF0;
	s4 =	simm.s32 $0x308;
	v8 =	vld.idx.msk [tilespmem:v2+s19+$0x0], $0xffff;
	[tilespmem:s0+$0xFFFFFFD0] =	vst v11  }
.LBB2_10:
0x120: {  	v11 =	vld [tilespmem:s21+$0x0];
	s4 =	sadd.s32 $0x4, s4;
	[tilespmem:s2+$0xFFFFFFD0] =	vst v9;
	s2 =	smov.u32 s1  }
0x121: {  	s0 =	sadd.s32 $0x40, s0;
	v12 =	vld [tilespmem:s21+$0xFFFFFFE0];
	p1 =	slt.u32 s4, $0x3FC;
	[tilespmem:s1+$0xFFFFFFE0] =	vst v5  }
0x122: {  	v13 =	vld [tilespmem:s21+$0xFFFFFFF0];
	[tilespmem:s0+$0x0] =	vst v6  }
0x123: {  	[tilespmem:s0+$0xFFFFFFE0] =	vst v7;
	v14 =	vld.idx.msk [tilespmem:v3+s25+$0x0], $0xffff  }
0x124: {  	v15 =	vld [tilespmem:s21+$0xFFFFFFD0];
	[tilespmem:s0+$0xFFFFFFF0] =	vst v8  }
0x125: {  	v16 =	vld.idx.msk [tilespmem:v4+s19+$0x0], $0xffff;
	[tilespmem:s1+$0xFFFFFFF0] =	vst v10;
	v3 =	vmov v11  }
0x126: {  	v9 =	vld.idx.msk [tilespmem:v0+s25+$0x0], $0xffff;
	v0 =	vmov v4  }
.Ltmp4:
0x127: {  	v5 =	vld.idx.msk [tilespmem:v1+s25+$0x0], $0xffff;
	v1 =	vmov v12;
	(pc) =	sbr.rel @p1 .LBB2_10-.Ltmp4, $4  }
0x128: {  	s1 =	sadd.s32 $0x40, s1;
	v6 =	vld.idx.msk [tilespmem:v11+s19+$0x0], $0xffff  }
0x129: {  	v7 =	vld.idx.msk [tilespmem:v12+s19+$0x0], $0xffff;
	[tilespmem:s1+$0x0] =	vst v14;
	v4 =	vmov v15  }
0x12a: {  	v8 =	vld.idx.msk [tilespmem:v13+s19+$0x0], $0xffff  }
0x12b: {  	s21 =	sadd.s32 $0x40, s21;
	[tilespmem:s0+$0xFFFFFFD0] =	vst v16;
	v10 =	vld.idx.msk [tilespmem:v2+s25+$0x0], $0xffff;
	v2 =	vmov v13  }
0x12c: {  	_ =	sdelay $0x3  }
0x12d: {  	[tilespmem:s2+$0xFFFFFFD0] =	vst v9;
	v62 =	vld.idx.msk [tilespmem:v4+s19+$0x0], $0xffff  }
0x12e: {  	s0 =	sadd.s32 $0x40, s0;
	[tilespmem:s1+$0xFFFFFFE0] =	vst v5  }
0x12f: {  	v0 =	vld.idx.msk [tilespmem:v0+s25+$0x0], $0xffff;
	[tilespmem:s0+$0x0] =	vst v6  }
0x130: {  	v3 =	vld.idx.msk [tilespmem:v3+s25+$0x0], $0xffff;
	[tilespmem:s0+$0xFFFFFFE0] =	vst v7  }
0x131: {  	[tilespmem:s0+$0xFFFFFFF0] =	vst v8;
	v1 =	vld.idx.msk [tilespmem:v1+s25+$0x0], $0xffff  }
0x132: {  	v2 =	vld.idx.msk [tilespmem:v2+s25+$0x0], $0xffff;
	[tilespmem:s0+$0xFFFFFFD0] =	vst v62  }
0x133: {  	[tilespmem:s1+$0xFFFFFFF0] =	vst v10;
	v63 =	vld.idx.msk [tilespmem:v4+s25+$0x0], $0xffff  }
0x134: {  	s29 =	sadd.s32 $0x40, s1;
	[tilespmem:s1+$0xFFFFFFD0] =	vst v0  }
0x135: {  	[tilespmem:s29+$0x0] =	vst v3  }
0x136: {  	[tilespmem:s29+$0xFFFFFFE0] =	vst v1  }
0x137: {  	[tilespmem:s29+$0xFFFFFFF0] =	vst v2  }
0x138: {  	s30 =	simm.s32 $0x12F00;
	[tilespmem:s29+$0xFFFFFFD0] =	vst v63  }
0x139: {  	[hbm4b:s14+s17] =	stream.strided.scatter [tilespmem:s30], [sflag:$0x1], $0x1000, s18, s17, $0x38;
	[tilespmem:$0x18300] =	vst v63  }
0x13a: {  	s2 =	simm.s32 @!p0 $0x16F00;
	s0 =	simm.s32 @!p0 $0x80;
	s1 =	simm.s32 @!p0 $0x400  }
0x13b: {  	[hbm4b:s15+s0] =	stream.strided.scatter @!p0 [tilespmem:s2], [sflag:$0x2], $0x1000, s1, s0, $0x38;
	[tilespmem:$0x18300] =	vst v63  }
0x13c: {  	_ =	swait.ge [sflag:s24], $0x1000  }
0x13d: {  	[sflag:s24] =	ssyncset.done $0x0  }
0x13e: {  	[sflag:s24] =	ssyncadd.s32 $0xFFFFF000  }
0x13f: {  	_ =	swait.ge [sflag:s24], $0x1000  }
0x140: {  	[sflag:s24] =	ssyncset.done $0x0  }
0x141: {  	[sflag:s24] =	ssyncadd.s32 $0xFFFFF000  }
0x142: {  	_ =	swait.ge [sflag:s24], $0x1000  }
0x143: {  	[sflag:s24] =	ssyncset.done $0x0  }
0x144: {  	[sflag:s24] =	ssyncadd.s32 $0xFFFFF000  }
0x145: {  	_ =	swait.ge [sflag:s24], $0x1000  }
0x146: {  	[sflag:s24] =	ssyncset.done $0x0  }
0x147: {  	s0 =	simm.s32 @!p0 $0x2;
	[sflag:s24] =	ssyncadd.s32 $0xFFFFF000  }
0x148: {  	_ =	swait.ge @!p0 [sflag:s0], $0x1000  }
0x149: {  	[sflag:s0] =	ssyncset.done @!p0 $0x0  }
0x14a: {  	[sflag:s0] =	ssyncadd.s32 @!p0 $0xFFFFF000  }
0x14b: {  	_ =	swait.ge @!p0 [sflag:s0], $0x1000  }
0x14c: {  	[sflag:s0] =	ssyncset.done @!p0 $0x0  }
0x14d: {  	s31 =	sadd.s32 $0x1, s31;
	[sflag:s0] =	ssyncadd.s32 @!p0 $0xFFFFF000  }
0x14e: {  	p1 =	sne.s32 s31, s16;
	_ =	swait.ge @!p0 [sflag:s0], $0x1000  }
.Ltmp5:
0x14f: {  	[sflag:s0] =	ssyncset.done @!p0 $0x0;
	(pc) =	sbr.rel @p1 .LBB2_1-.Ltmp5, $4  }
0x150: {  	[sflag:s0] =	ssyncadd.s32 @!p0 $0xFFFFF000  }
0x151: {  	_ =	swait.ge @!p0 [sflag:s0], $0x1000  }
0x152: {  	[sflag:s0] =	ssyncset.done @!p0 $0x0  }
0x153: {  	[sflag:s0] =	ssyncadd.s32 @!p0 $0xFFFFF000  }
0x154: {  	_ =	sfence.sel $0x180000  }
0x155: {  	[bflag:$0x0] =	sbarrier.arrive $0xFFFF  }
0x156: {  	_ =	strace $0x90000047  }
0x157: {  	s0 =	stileid.u32;
	[bflag:$0x2] =	sbarrier.arrive $0xFFFF  }
0x158: {  	p0 =	sne.s32 s0, $0x0;
	s0 =	rddreg [dreg:$0x4]  }
0x159: {  	s0 =	sadd.s32 @!p0 $0x100000, s0  }
0x15a: {  	[sflag:s0] =	ssyncadd.tile.s32 @!p0 $0x1;
	_ =	shalt  }
.Lfunc_end2:
_tile_overlayer_lowered:
.L_overlay_start_2:
0x15b: {  	(tag) =	ssettag $0x2  }
0x15c: {  	s0 =	rddreg [dreg:$0x0];
	s2 =	stileid.u32  }
0x15d: {  	s1 =	rddreg [dreg:$0x1];
	p0 =	sne.s32 s2, $0x0  }
0x15e: {  	s3 =	rddreg [dreg:$0x2];
	[bflag:$0x3] =	sbarrier.arrive $0xFFFF;
	s2 =	simm.s32 @!p0 $0x1C04  }
0x15f: {  	[timem:s3], [sflag:s2] =	dma.local @!p0 [hbm:s0], s1  }
0x160: {  	s0 =	simm.s32 @!p0 $0x4  }
0x161: {  	_ =	swait.ge @!p0 [sflag:s0], s1  }
0x162: {  	s1 =	ssub.s32 @!p0 $0x0, s1;
	[sflag:s0] =	ssyncset.done @!p0 $0x0  }
0x163: {  	[sflag:s0] =	ssyncadd.s32 @!p0 s1  }
0x164: {  	[bflag:$0x3] =	sbarrier.arrive $0xFFFF  }
0x165: {  	_ =	shalt  }

</sc_bundles>
